<compile_context>
chip_gen: v7x
topology: tpu7x:2x2x1
jax: 0.10.2.dev20260603
libtpu: 0.0.44.dev20260713+nightly
codegen_flags: <defaults>
</compile_context>

<pallas_src>
import functools

import jax
import jax.numpy as jnp
from jax import lax
from jax.experimental import pallas as pl
from jax.experimental.pallas import tpu as pltpu
from jax.experimental.pallas import tpu_sc as plsc

B, N, K, C = 8, 4096, 512, 64
NTOT = B * N
NB = 4096
NTOK = N // 4
LANES = 16


def _tc_body(probs_ref, logits_ref, ha_ref, pc_ref):
    p = probs_ref[...]
    kio = lax.broadcasted_iota(jnp.int32, (NB, K), 1)
    pmax = jnp.max(p, axis=-1, keepdims=True)
    ha_ref[...] = jnp.min(jnp.where(p == pmax, kio, K), axis=-1)

    lt = logits_ref[...].T
    cio = lax.broadcasted_iota(jnp.int32, (C, NB), 0)
    lmax = jnp.max(lt, axis=0, keepdims=True)
    pc_ref[...] = jnp.min(jnp.where(lt == lmax, cio, C), axis=0)


def _tc_call(probs2, logits2):
    tok1 = pl.BlockSpec((NB,), lambda i: (i,))
    out1 = jax.ShapeDtypeStruct((NTOT,), jnp.int32)
    return pl.pallas_call(
        _tc_body,
        grid=(NTOT // NB,),
        in_specs=[
            pl.BlockSpec((NB, K), lambda i: (i, 0)),
            pl.BlockSpec((NB, C), lambda i: (i, 0)),
        ],
        out_specs=[tok1, tok1],
        out_shape=[out1, out1],
        compiler_params=pltpu.CompilerParams(
            dimension_semantics=("arbitrary",),
        ),
    )(probs2, logits2)


def _box_body(boxes_ref, x1_ref, y1_ref, x2_ref, y2_ref):
    bx = boxes_ref[0]
    bt = bx.T
    x1_ref[...] = bt[0]
    y1_ref[...] = bt[1]
    x2_ref[...] = bt[2]
    y2_ref[...] = bt[3]


def _box_call(boxes):
    tok1 = pl.BlockSpec((N,), lambda b: (b,))
    outf = jax.ShapeDtypeStruct((NTOT,), jnp.float32)
    return pl.pallas_call(
        _box_body,
        grid=(B,),
        in_specs=[pl.BlockSpec((1, N, 4), lambda b: (b, 0, 0))],
        out_specs=[tok1, tok1, tok1, tok1],
        out_shape=[outf, outf, outf, outf],
        compiler_params=pltpu.CompilerParams(
            dimension_semantics=("arbitrary",),
        ),
    )(boxes)


@functools.partial(
    pl.kernel,
    mesh=plsc.VectorSubcoreMesh(core_axis_name="c", subcore_axis_name="s"),
    out_type=jax.ShapeDtypeStruct((B, 4, K), jnp.float32),
    scratch_types=[
        pltpu.VMEM((NTOK,), jnp.int32),
        pltpu.VMEM((NTOK,), jnp.float32),
        pltpu.VMEM((NTOK,), jnp.float32),
        pltpu.VMEM((NTOK,), jnp.float32),
        pltpu.VMEM((NTOK,), jnp.float32),
        pltpu.VMEM((LANES * K,), jnp.float32),
        pltpu.VMEM((LANES * K,), jnp.float32),
        pltpu.VMEM((LANES * K,), jnp.float32),
        pltpu.VMEM((LANES * K,), jnp.float32),
        pltpu.VMEM((4, K), jnp.float32),
        pltpu.VMEM((4, 4, K), jnp.float32),
        pltpu.VMEM_SHARED((16, 4, K), jnp.float32),
    ],
    compiler_params=pltpu.CompilerParams(needs_layout_passes=False),
)
def _sc_scatter(ha_hbm, x1_hbm, y1_hbm, x2_hbm, y2_hbm, out_hbm,
                idxv, bx0, bx1, bx2, bx3,
                a0, a1, a2, a3, part, comb, shared):
    c = lax.axis_index("c")
    s = lax.axis_index("s")
    b = c * 4 + s // 4
    q = s % 4
    base = b * N + q * NTOK
    pltpu.sync_copy(ha_hbm.at[pl.ds(base, NTOK)], idxv)
    pltpu.sync_copy(x1_hbm.at[pl.ds(base, NTOK)], bx0)
    pltpu.sync_copy(y1_hbm.at[pl.ds(base, NTOK)], bx1)
    pltpu.sync_copy(x2_hbm.at[pl.ds(base, NTOK)], bx2)
    pltpu.sync_copy(y2_hbm.at[pl.ds(base, NTOK)], bx3)

    ones = jnp.full((LANES,), 1.0, jnp.float32)
    zeros = jnp.zeros((LANES,), jnp.float32)

    def init_body(j, carry):
        off = j * LANES
        a0[pl.ds(off, LANES)] = ones
        a1[pl.ds(off, LANES)] = ones
        a2[pl.ds(off, LANES)] = zeros
        a3[pl.ds(off, LANES)] = zeros
        return carry

    lax.fori_loop(0, K, init_body, 0)

    lane = lax.iota(jnp.int32, LANES) * K

    def tok_body(t, carry):
        off = t * LANES
        g = lane + idxv[pl.ds(off, LANES)]
        v0 = plsc.load_gather(a0, [g])
        plsc.store_scatter(a0, [g], jnp.minimum(v0, bx0[pl.ds(off, LANES)]))
        v1 = plsc.load_gather(a1, [g])
        plsc.store_scatter(a1, [g], jnp.minimum(v1, bx1[pl.ds(off, LANES)]))
        v2 = plsc.load_gather(a2, [g])
        plsc.store_scatter(a2, [g], jnp.maximum(v2, bx2[pl.ds(off, LANES)]))
        v3 = plsc.load_gather(a3, [g])
        plsc.store_scatter(a3, [g], jnp.maximum(v3, bx3[pl.ds(off, LANES)]))
        return carry

    lax.fori_loop(0, NTOK // LANES, tok_body, 0)

    def red_body(j, carry):
        off = j * LANES
        r0 = a0[pl.ds(off, LANES)]
        r1 = a1[pl.ds(off, LANES)]
        r2 = a2[pl.ds(off, LANES)]
        r3 = a3[pl.ds(off, LANES)]
        for lrep in range(1, LANES):
            r0 = jnp.minimum(r0, a0[pl.ds(lrep * K + off, LANES)])
            r1 = jnp.minimum(r1, a1[pl.ds(lrep * K + off, LANES)])
            r2 = jnp.maximum(r2, a2[pl.ds(lrep * K + off, LANES)])
            r3 = jnp.maximum(r3, a3[pl.ds(lrep * K + off, LANES)])
        part[0, pl.ds(off, LANES)] = r0
        part[1, pl.ds(off, LANES)] = r1
        part[2, pl.ds(off, LANES)] = r2
        part[3, pl.ds(off, LANES)] = r3
        return carry

    lax.fori_loop(0, K // LANES, red_body, 0)

    pltpu.sync_copy(part, shared.at[s])
    plsc.subcore_barrier()

    @pl.when(q == 0)
    def _():
        pltpu.sync_copy(shared.at[pl.ds(s, 4)], comb)

        def comb_body(j, carry):
            off = j * LANES
            for coord, op in ((0, jnp.minimum), (1, jnp.minimum),
                              (2, jnp.maximum), (3, jnp.maximum)):
                r = comb[0, coord, pl.ds(off, LANES)]
                for w in range(1, 4):
                    r = op(r, comb[w, coord, pl.ds(off, LANES)])
                part[coord, pl.ds(off, LANES)] = r
            return carry

        lax.fori_loop(0, K // LANES, comb_body, 0)
        pltpu.sync_copy(part, out_hbm.at[b])


def kernel(boxes, assign_probs, class_logits):
    ha, pc = _tc_call(
        assign_probs.reshape(NTOT, K),
        class_logits.reshape(NTOT, C),
    )
    x1, y1, x2, y2 = _box_call(boxes)
    comp_t = _sc_scatter(ha, x1, y1, x2, y2)
    hard_assign = ha.reshape(B, N)
    pred_classes = pc.reshape(B, N)
    comp = comp_t.transpose(0, 2, 1)
    keep = jnp.ones((B, N), dtype=bool)
    return (hard_assign, pred_classes, boxes, keep, comp)

# --- scband reference (transcript-rebuilt; emitter-appended) ---
"""Pipeline reference for scband-system-layer-69329362092620 (READ-ONLY COPY).

The authoritative reference and input builder live on the scoring server;
editing this copy changes nothing except your own understanding.
"""

import jax, jax.numpy as jnp
import numpy as np

B, N, K, C = 8, 4096, 512, 64

def setup_inputs(seed: int = 0) -> dict:
    key = jax.random.key(seed)
    k1, k2, k3 = jax.random.split(key, 3)
    boxes = jax.random.uniform(k1, (B, N, 4), dtype=jnp.float32)
    assign_probs = jax.random.uniform(k2, (B, N, K), dtype=jnp.float32)
    class_logits = jax.random.normal(k3, (B, N, C), dtype=jnp.float32)
    return {"boxes": boxes, "assign_probs": assign_probs, "class_logits": class_logits}

def reference(boxes, assign_probs, class_logits):
    # hard decisions (non-differentiable, matches torch.no_grad semantics)
    hard_assign = jnp.argmax(assign_probs, axis=-1)          # [B, N] int
    pred_classes = jnp.argmax(class_logits, axis=-1)         # [B, N] int
    micro_boxes_hard = boxes                                  # [B, N, 4]
    micro_keep_mask = jnp.ones_like(hard_assign, dtype=bool)  # [B, N]
    k = assign_probs.shape[-1]

    def per_batch(mb, ha):
        # scatter_reduce_(amin/amax, include_self=True) with init 1.0 / 0.0
        x1 = jnp.full((k,), 1.0, dtype=mb.dtype).at[ha].min(mb[:, 0])
        y1 = jnp.full((k,), 1.0, dtype=mb.dtype).at[ha].min(mb[:, 1])
        x2 = jnp.zeros((k,), dtype=mb.dtype).at[ha].max(mb[:, 2])
        y2 = jnp.zeros((k,), dtype=mb.dtype).at[ha].max(mb[:, 3])
        return jnp.stack([x1, y1, x2, y2], axis=-1)          # [K, 4]

    comp_boxes_hard = jax.vmap(per_batch)(boxes, hard_assign)  # [B, K, 4]
    return (hard_assign, pred_classes, micro_boxes_hard, micro_keep_mask, comp_boxes_hard)

if __name__ == "__main__":
    import jax
    _d = setup_inputs()
    print(jax.jit(kernel)(*tuple(_d.values())))

</pallas_src>

<mosaic_0001>
#map = affine_map<(d0, d1) -> (0)>
#map1 = affine_map<(d0, d1) -> (0, 0, 0)>
module attributes {stable_mosaic.version = 14 : i64} {
  func.func @_sc_scatter(%arg0: i32, %arg1: i32, %arg2: memref<32768xi32, #tpu.memory_space<hbm>>, %arg3: memref<32768xf32, #tpu.memory_space<hbm>>, %arg4: memref<32768xf32, #tpu.memory_space<hbm>>, %arg5: memref<32768xf32, #tpu.memory_space<hbm>>, %arg6: memref<32768xf32, #tpu.memory_space<hbm>>, %arg7: memref<8x4x512xf32, #tpu.memory_space<hbm>>, %arg8: memref<1024xi32, #tpu.memory_space<vmem>>, %arg9: memref<1024xf32, #tpu.memory_space<vmem>>, %arg10: memref<1024xf32, #tpu.memory_space<vmem>>, %arg11: memref<1024xf32, #tpu.memory_space<vmem>>, %arg12: memref<1024xf32, #tpu.memory_space<vmem>>, %arg13: memref<8192xf32, #tpu.memory_space<vmem>>, %arg14: memref<8192xf32, #tpu.memory_space<vmem>>, %arg15: memref<8192xf32, #tpu.memory_space<vmem>>, %arg16: memref<8192xf32, #tpu.memory_space<vmem>>, %arg17: memref<4x512xf32, #tpu.memory_space<vmem>>, %arg18: memref<4x4x512xf32, #tpu.memory_space<vmem>>, %arg19: memref<16x4x512xf32, #tpu.memory_space<vmem_shared>>) attributes {dimension_semantics = [#tpu.dimension_semantics<core_parallel>, #tpu.dimension_semantics<subcore_parallel>], iteration_bounds = array<i64: 2, 16>, scalar_prefetch = 0 : i64, scratch_operands = 12 : i64, tpu.core_type = #tpu.core_type<sc_vector_subcore>, window_params = [{transform_indices = #map}, {transform_indices = #map}, {transform_indices = #map}, {transform_indices = #map}, {transform_indices = #map}, {transform_indices = #map1}]} {
    %mul3A = arith.constant 4 : i32
    %mul3A_0 = arith.muli %arg0, %mul3A : i32
    %jit3A = arith.constant 4 : i32
    %div3A = arith.divsi %arg1, %jit3A : i32
    %sign3A = arith.constant 0 : i32
    %sign3A_1 = arith.cmpi sgt, %arg1, %sign3A : i32
    %sign3A_2 = arith.extui %sign3A_1 : i1 to i32
    %sign3A_3 = arith.constant 0 : i32
    %sign3A_4 = arith.cmpi slt, %arg1, %sign3A_3 : i32
    %sign3A_5 = arith.extui %sign3A_4 : i1 to i32
    %sign3A_6 = arith.subi %sign3A_2, %sign3A_5 : i32
    %sign3A_7 = arith.constant 0 : i32
    %sign3A_8 = arith.cmpi sgt, %jit3A, %sign3A_7 : i32
    %sign3A_9 = arith.extui %sign3A_8 : i1 to i32
    %sign3A_10 = arith.constant 0 : i32
    %sign3A_11 = arith.cmpi slt, %jit3A, %sign3A_10 : i32
    %sign3A_12 = arith.extui %sign3A_11 : i1 to i32
    %sign3A_13 = arith.subi %sign3A_9, %sign3A_12 : i32
    %ne3A = arith.cmpi ne, %sign3A_6, %sign3A_13 : i32
    %rem3A = arith.remsi %arg1, %jit3A : i32
    %ne3A_14 = arith.constant 0 : i32
    %ne3A_15 = arith.cmpi ne, %rem3A, %ne3A_14 : i32
    %and3A = arith.andi %ne3A, %ne3A_15 : i1
    %sub3A = arith.constant 1 : i32
    %sub3A_16 = arith.subi %div3A, %sub3A : i32
    %select_n3A = arith.select %and3A, %sub3A_16, %div3A : i32
    %add3A = arith.addi %mul3A_0, %select_n3A : i32
    %jit3A_17 = arith.constant 4 : i32
    %eq3A = arith.constant 0 : i32
    %eq3A_18 = arith.cmpi eq, %jit3A_17, %eq3A : i32
    %jit3A_19 = arith.constant 1 : i32
    %select_n3A_20 = arith.select %eq3A_18, %jit3A_19, %jit3A_17 : i32
    %rem3A_21 = arith.remsi %arg1, %select_n3A_20 : i32
    %ne3A_22 = arith.constant 0 : i32
    %ne3A_23 = arith.cmpi ne, %rem3A_21, %ne3A_22 : i32
    %lt3A = arith.constant 0 : i32
    %lt3A_24 = arith.cmpi slt, %rem3A_21, %lt3A : i32
    %lt3A_25 = arith.constant 0 : i32
    %lt3A_26 = arith.cmpi slt, %select_n3A_20, %lt3A_25 : i32
    %ne3A_27 = arith.xori %lt3A_24, %lt3A_26 : i1
    %and3A_28 = arith.andi %ne3A_27, %ne3A_23 : i1
    %add3A_29 = arith.addi %rem3A_21, %select_n3A_20 : i32
    %select_n3A_30 = arith.select %and3A_28, %add3A_29, %rem3A_21 : i32
    %mul3A_31 = arith.constant 4096 : i32
    %mul3A_32 = arith.muli %add3A, %mul3A_31 : i32
    %mul3A_33 = arith.constant 1024 : i32
    %mul3A_34 = arith.muli %select_n3A_30, %mul3A_33 : i32
    %add3A_35 = arith.addi %mul3A_32, %mul3A_34 : i32
    "tpu.region"() ({
      %run_scoped3A = tpu.sem_alloc : memref<!tpu.dma_semaphore, #tpu.memory_space<semaphore_mem>>
      %dma_start3A = tpu.memref_slice %arg2[%add3A_35] : memref<32768xi32, #tpu.memory_space<hbm>> -> memref<1024xi32, #tpu.memory_space<hbm>>
      %dma_start3A_62 = tpu.memref_slice %arg2[%add3A_35] : memref<32768xi32, #tpu.memory_space<hbm>> -> memref<1024xi32, #tpu.memory_space<hbm>>
      tpu.enqueue_dma source(%dma_start3A_62 : memref<1024xi32, #tpu.memory_space<hbm>>) target(%arg8 : memref<1024xi32, #tpu.memory_space<vmem>>) target_semaphore(%run_scoped3A : memref<!tpu.dma_semaphore, #tpu.memory_space<semaphore_mem>>)
      %dma_wait3A = tpu.memref_slice %arg2[%add3A_35] : memref<32768xi32, #tpu.memory_space<hbm>> -> memref<1024xi32, #tpu.memory_space<hbm>>
      %dma_wait3A_63 = tpu.memref_slice %arg2[%add3A_35] : memref<32768xi32, #tpu.memory_space<hbm>> -> memref<1024xi32, #tpu.memory_space<hbm>>
      tpu.wait_dma2 semaphore(%run_scoped3A : memref<!tpu.dma_semaphore, #tpu.memory_space<semaphore_mem>>) src(%dma_wait3A_63 : memref<1024xi32, #tpu.memory_space<hbm>>) dst(%arg8 : memref<1024xi32, #tpu.memory_space<vmem>>)
      tpu.yield
    }) : () -> ()
    "tpu.region"() ({
      %run_scoped3A = tpu.sem_alloc : memref<!tpu.dma_semaphore, #tpu.memory_space<semaphore_mem>>
      %dma_start3A = tpu.memref_slice %arg3[%add3A_35] : memref<32768xf32, #tpu.memory_space<hbm>> -> memref<1024xf32, #tpu.memory_space<hbm>>
      %dma_start3A_62 = tpu.memref_slice %arg3[%add3A_35] : memref<32768xf32, #tpu.memory_space<hbm>> -> memref<1024xf32, #tpu.memory_space<hbm>>
      tpu.enqueue_dma source(%dma_start3A_62 : memref<1024xf32, #tpu.memory_space<hbm>>) target(%arg9 : memref<1024xf32, #tpu.memory_space<vmem>>) target_semaphore(%run_scoped3A : memref<!tpu.dma_semaphore, #tpu.memory_space<semaphore_mem>>)
      %dma_wait3A = tpu.memref_slice %arg3[%add3A_35] : memref<32768xf32, #tpu.memory_space<hbm>> -> memref<1024xf32, #tpu.memory_space<hbm>>
      %dma_wait3A_63 = tpu.memref_slice %arg3[%add3A_35] : memref<32768xf32, #tpu.memory_space<hbm>> -> memref<1024xf32, #tpu.memory_space<hbm>>
      tpu.wait_dma2 semaphore(%run_scoped3A : memref<!tpu.dma_semaphore, #tpu.memory_space<semaphore_mem>>) src(%dma_wait3A_63 : memref<1024xf32, #tpu.memory_space<hbm>>) dst(%arg9 : memref<1024xf32, #tpu.memory_space<vmem>>)
      tpu.yield
    }) : () -> ()
    "tpu.region"() ({
      %run_scoped3A = tpu.sem_alloc : memref<!tpu.dma_semaphore, #tpu.memory_space<semaphore_mem>>
      %dma_start3A = tpu.memref_slice %arg4[%add3A_35] : memref<32768xf32, #tpu.memory_space<hbm>> -> memref<1024xf32, #tpu.memory_space<hbm>>
      %dma_start3A_62 = tpu.memref_slice %arg4[%add3A_35] : memref<32768xf32, #tpu.memory_space<hbm>> -> memref<1024xf32, #tpu.memory_space<hbm>>
      tpu.enqueue_dma source(%dma_start3A_62 : memref<1024xf32, #tpu.memory_space<hbm>>) target(%arg10 : memref<1024xf32, #tpu.memory_space<vmem>>) target_semaphore(%run_scoped3A : memref<!tpu.dma_semaphore, #tpu.memory_space<semaphore_mem>>)
      %dma_wait3A = tpu.memref_slice %arg4[%add3A_35] : memref<32768xf32, #tpu.memory_space<hbm>> -> memref<1024xf32, #tpu.memory_space<hbm>>
      %dma_wait3A_63 = tpu.memref_slice %arg4[%add3A_35] : memref<32768xf32, #tpu.memory_space<hbm>> -> memref<1024xf32, #tpu.memory_space<hbm>>
      tpu.wait_dma2 semaphore(%run_scoped3A : memref<!tpu.dma_semaphore, #tpu.memory_space<semaphore_mem>>) src(%dma_wait3A_63 : memref<1024xf32, #tpu.memory_space<hbm>>) dst(%arg10 : memref<1024xf32, #tpu.memory_space<vmem>>)
      tpu.yield
    }) : () -> ()
    "tpu.region"() ({
      %run_scoped3A = tpu.sem_alloc : memref<!tpu.dma_semaphore, #tpu.memory_space<semaphore_mem>>
      %dma_start3A = tpu.memref_slice %arg5[%add3A_35] : memref<32768xf32, #tpu.memory_space<hbm>> -> memref<1024xf32, #tpu.memory_space<hbm>>
      %dma_start3A_62 = tpu.memref_slice %arg5[%add3A_35] : memref<32768xf32, #tpu.memory_space<hbm>> -> memref<1024xf32, #tpu.memory_space<hbm>>
      tpu.enqueue_dma source(%dma_start3A_62 : memref<1024xf32, #tpu.memory_space<hbm>>) target(%arg11 : memref<1024xf32, #tpu.memory_space<vmem>>) target_semaphore(%run_scoped3A : memref<!tpu.dma_semaphore, #tpu.memory_space<semaphore_mem>>)
      %dma_wait3A = tpu.memref_slice %arg5[%add3A_35] : memref<32768xf32, #tpu.memory_space<hbm>> -> memref<1024xf32, #tpu.memory_space<hbm>>
      %dma_wait3A_63 = tpu.memref_slice %arg5[%add3A_35] : memref<32768xf32, #tpu.memory_space<hbm>> -> memref<1024xf32, #tpu.memory_space<hbm>>
      tpu.wait_dma2 semaphore(%run_scoped3A : memref<!tpu.dma_semaphore, #tpu.memory_space<semaphore_mem>>) src(%dma_wait3A_63 : memref<1024xf32, #tpu.memory_space<hbm>>) dst(%arg11 : memref<1024xf32, #tpu.memory_space<vmem>>)
      tpu.yield
    }) : () -> ()
    "tpu.region"() ({
      %run_scoped3A = tpu.sem_alloc : memref<!tpu.dma_semaphore, #tpu.memory_space<semaphore_mem>>
      %dma_start3A = tpu.memref_slice %arg6[%add3A_35] : memref<32768xf32, #tpu.memory_space<hbm>> -> memref<1024xf32, #tpu.memory_space<hbm>>
      %dma_start3A_62 = tpu.memref_slice %arg6[%add3A_35] : memref<32768xf32, #tpu.memory_space<hbm>> -> memref<1024xf32, #tpu.memory_space<hbm>>
      tpu.enqueue_dma source(%dma_start3A_62 : memref<1024xf32, #tpu.memory_space<hbm>>) target(%arg12 : memref<1024xf32, #tpu.memory_space<vmem>>) target_semaphore(%run_scoped3A : memref<!tpu.dma_semaphore, #tpu.memory_space<semaphore_mem>>)
      %dma_wait3A = tpu.memref_slice %arg6[%add3A_35] : memref<32768xf32, #tpu.memory_space<hbm>> -> memref<1024xf32, #tpu.memory_space<hbm>>
      %dma_wait3A_63 = tpu.memref_slice %arg6[%add3A_35] : memref<32768xf32, #tpu.memory_space<hbm>> -> memref<1024xf32, #tpu.memory_space<hbm>>
      tpu.wait_dma2 semaphore(%run_scoped3A : memref<!tpu.dma_semaphore, #tpu.memory_space<semaphore_mem>>) src(%dma_wait3A_63 : memref<1024xf32, #tpu.memory_space<hbm>>) dst(%arg12 : memref<1024xf32, #tpu.memory_space<vmem>>)
      tpu.yield
    }) : () -> ()
    %broadcast_in_dim3A = arith.constant 1.000000e+00 : f32
    %broadcast_in_dim3A_36 = vector.broadcast %broadcast_in_dim3A : f32 to vector<16xf32>
    %broadcast_in_dim3A_37 = arith.constant 0.000000e+00 : f32
    %broadcast_in_dim3A_38 = vector.broadcast %broadcast_in_dim3A_37 : f32 to vector<16xf32>
    %scan3A = arith.constant 0 : i32
    %scan3A_39 = arith.constant 0 : i32
    %scan3A_40 = arith.constant 512 : i32
    %scan3A_41 = arith.addi %scan3A_39, %scan3A_40 : i32
    %scan3A_42 = arith.constant 1 : i32
    scf.for %scan3A_62 = %scan3A_39 to %scan3A_41 step %scan3A_42  : i32 {
      %mul3A_63 = arith.constant 16 : i32
      %mul3A_64 = arith.muli %scan3A_62, %mul3A_63 : i32
      %swap3A = arith.index_cast %mul3A_64 : i32 to index
      %swap3A_65 = tpu.vector_load %arg13[%swap3A] {strides = array<i32>} : memref<8192xf32, #tpu.memory_space<vmem>>, vector<16xf32>,
      tpu.vector_store %arg13[%swap3A], %broadcast_in_dim3A_36 {strides = array<i32>} : memref<8192xf32, #tpu.memory_space<vmem>>, vector<16xf32>,
      %swap3A_66 = arith.index_cast %mul3A_64 : i32 to index
      %swap3A_67 = tpu.vector_load %arg14[%swap3A_66] {strides = array<i32>} : memref<8192xf32, #tpu.memory_space<vmem>>, vector<16xf32>,
      tpu.vector_store %arg14[%swap3A_66], %broadcast_in_dim3A_36 {strides = array<i32>} : memref<8192xf32, #tpu.memory_space<vmem>>, vector<16xf32>,
      %swap3A_68 = arith.index_cast %mul3A_64 : i32 to index
      %swap3A_69 = tpu.vector_load %arg15[%swap3A_68] {strides = array<i32>} : memref<8192xf32, #tpu.memory_space<vmem>>, vector<16xf32>,
      tpu.vector_store %arg15[%swap3A_68], %broadcast_in_dim3A_38 {strides = array<i32>} : memref<8192xf32, #tpu.memory_space<vmem>>, vector<16xf32>,
      %swap3A_70 = arith.index_cast %mul3A_64 : i32 to index
      %swap3A_71 = tpu.vector_load %arg16[%swap3A_70] {strides = array<i32>} : memref<8192xf32, #tpu.memory_space<vmem>>, vector<16xf32>,
      tpu.vector_store %arg16[%swap3A_70], %broadcast_in_dim3A_38 {strides = array<i32>} : memref<8192xf32, #tpu.memory_space<vmem>>, vector<16xf32>,
    }
    %scan3A_43 = arith.constant 512 : i32
    %iota3A = tpu.iota {dimensions = array<i32: 0>} : vector<16xi32>
    %mul3A_44 = arith.constant 512 : i32
    %mul3A_45 = vector.broadcast %mul3A_44 : i32 to vector<16xi32>
    %mul3A_46 = arith.muli %iota3A, %mul3A_45 : vector<16xi32>
    %scan3A_47 = arith.constant 0 : i32
    %scan3A_48 = arith.constant 0 : i32
    %scan3A_49 = arith.constant 64 : i32
    %scan3A_50 = arith.addi %scan3A_48, %scan3A_49 : i32
    %scan3A_51 = arith.constant 1 : i32
    scf.for %scan3A_62 = %scan3A_48 to %scan3A_50 step %scan3A_51  : i32 {
      %mul3A_63 = arith.constant 16 : i32
      %mul3A_64 = arith.muli %scan3A_62, %mul3A_63 : i32
      %get3A = arith.index_cast %mul3A_64 : i32 to index
      %get3A_65 = tpu.vector_load %arg8[%get3A] {strides = array<i32>} : memref<1024xi32, #tpu.memory_space<vmem>>, vector<16xi32>,
      %add3A_66 = arith.addi %mul3A_46, %get3A_65 : vector<16xi32>
      %gather3A = tpu.vector_load_idx %arg13[%add3A_66] : memref<8192xf32, #tpu.memory_space<vmem>>[vector<16xi32>], vector<16xf32>,
      %get3A_67 = arith.index_cast %mul3A_64 : i32 to index
      %get3A_68 = tpu.vector_load %arg9[%get3A_67] {strides = array<i32>} : memref<1024xf32, #tpu.memory_space<vmem>>, vector<16xf32>,
      %min3A = arith.minimumf %gather3A, %get3A_68 : vector<16xf32>
      tpu.vector_store_idx %arg13[%add3A_66], %min3A : memref<8192xf32, #tpu.memory_space<vmem>>[vector<16xi32>], vector<16xf32>,
      %gather3A_69 = tpu.vector_load_idx %arg14[%add3A_66] : memref<8192xf32, #tpu.memory_space<vmem>>[vector<16xi32>], vector<16xf32>,
      %get3A_70 = arith.index_cast %mul3A_64 : i32 to index
      %get3A_71 = tpu.vector_load %arg10[%get3A_70] {strides = array<i32>} : memref<1024xf32, #tpu.memory_space<vmem>>, vector<16xf32>,
      %min3A_72 = arith.minimumf %gather3A_69, %get3A_71 : vector<16xf32>
      tpu.vector_store_idx %arg14[%add3A_66], %min3A_72 : memref<8192xf32, #tpu.memory_space<vmem>>[vector<16xi32>], vector<16xf32>,
      %gather3A_73 = tpu.vector_load_idx %arg15[%add3A_66] : memref<8192xf32, #tpu.memory_space<vmem>>[vector<16xi32>], vector<16xf32>,
      %get3A_74 = arith.index_cast %mul3A_64 : i32 to index
      %get3A_75 = tpu.vector_load %arg11[%get3A_74] {strides = array<i32>} : memref<1024xf32, #tpu.memory_space<vmem>>, vector<16xf32>,
      %max3A = arith.maximumf %gather3A_73, %get3A_75 : vector<16xf32>
      tpu.vector_store_idx %arg15[%add3A_66], %max3A : memref<8192xf32, #tpu.memory_space<vmem>>[vector<16xi32>], vector<16xf32>,
      %gather3A_76 = tpu.vector_load_idx %arg16[%add3A_66] : memref<8192xf32, #tpu.memory_space<vmem>>[vector<16xi32>], vector<16xf32>,
      %get3A_77 = arith.index_cast %mul3A_64 : i32 to index
      %get3A_78 = tpu.vector_load %arg12[%get3A_77] {strides = array<i32>} : memref<1024xf32, #tpu.memory_space<vmem>>, vector<16xf32>,
      %max3A_79 = arith.maximumf %gather3A_76, %get3A_78 : vector<16xf32>
      tpu.vector_store_idx %arg16[%add3A_66], %max3A_79 : memref<8192xf32, #tpu.memory_space<vmem>>[vector<16xi32>], vector<16xf32>,
    }
    %scan3A_52 = arith.constant 64 : i32
    %scan3A_53 = arith.constant 0 : i32
    %scan3A_54 = arith.constant 0 : i32
    %scan3A_55 = arith.constant 32 : i32
    %scan3A_56 = arith.addi %scan3A_54, %scan3A_55 : i32
    %scan3A_57 = arith.constant 1 : i32
    scf.for %scan3A_62 = %scan3A_54 to %scan3A_56 step %scan3A_57  : i32 {
      %mul3A_63 = arith.constant 16 : i32
      %mul3A_64 = arith.muli %scan3A_62, %mul3A_63 : i32
      %get3A = arith.index_cast %mul3A_64 : i32 to index
      %get3A_65 = tpu.vector_load %arg13[%get3A] {strides = array<i32>} : memref<8192xf32, #tpu.memory_space<vmem>>, vector<16xf32>,
      %get3A_66 = arith.index_cast %mul3A_64 : i32 to index
      %get3A_67 = tpu.vector_load %arg14[%get3A_66] {strides = array<i32>} : memref<8192xf32, #tpu.memory_space<vmem>>, vector<16xf32>,
      %get3A_68 = arith.index_cast %mul3A_64 : i32 to index
      %get3A_69 = tpu.vector_load %arg15[%get3A_68] {strides = array<i32>} : memref<8192xf32, #tpu.memory_space<vmem>>, vector<16xf32>,
      %get3A_70 = arith.index_cast %mul3A_64 : i32 to index
      %get3A_71 = tpu.vector_load %arg16[%get3A_70] {strides = array<i32>} : memref<8192xf32, #tpu.memory_space<vmem>>, vector<16xf32>,
      %add3A_72 = arith.constant 512 : i32
      %add3A_73 = arith.addi %add3A_72, %mul3A_64 : i32
      %get3A_74 = arith.index_cast %add3A_73 : i32 to index
      %get3A_75 = tpu.vector_load %arg13[%get3A_74] {strides = array<i32>} : memref<8192xf32, #tpu.memory_space<vmem>>, vector<16xf32>,
      %min3A = arith.minimumf %get3A_65, %get3A_75 : vector<16xf32>
      %add3A_76 = arith.constant 512 : i32
      %add3A_77 = arith.addi %add3A_76, %mul3A_64 : i32
      %get3A_78 = arith.index_cast %add3A_77 : i32 to index
      %get3A_79 = tpu.vector_load %arg14[%get3A_78] {strides = array<i32>} : memref<8192xf32, #tpu.memory_space<vmem>>, vector<16xf32>,
      %min3A_80 = arith.minimumf %get3A_67, %get3A_79 : vector<16xf32>
      %add3A_81 = arith.constant 512 : i32
      %add3A_82 = arith.addi %add3A_81, %mul3A_64 : i32
      %get3A_83 = arith.index_cast %add3A_82 : i32 to index
      %get3A_84 = tpu.vector_load %arg15[%get3A_83] {strides = array<i32>} : memref<8192xf32, #tpu.memory_space<vmem>>, vector<16xf32>,
      %max3A = arith.maximumf %get3A_69, %get3A_84 : vector<16xf32>
      %add3A_85 = arith.constant 512 : i32
      %add3A_86 = arith.addi %add3A_85, %mul3A_64 : i32
      %get3A_87 = arith.index_cast %add3A_86 : i32 to index
      %get3A_88 = tpu.vector_load %arg16[%get3A_87] {strides = array<i32>} : memref<8192xf32, #tpu.memory_space<vmem>>, vector<16xf32>,
      %max3A_89 = arith.maximumf %get3A_71, %get3A_88 : vector<16xf32>
      %add3A_90 = arith.constant 1024 : i32
      %add3A_91 = arith.addi %add3A_90, %mul3A_64 : i32
      %get3A_92 = arith.index_cast %add3A_91 : i32 to index
      %get3A_93 = tpu.vector_load %arg13[%get3A_92] {strides = array<i32>} : memref<8192xf32, #tpu.memory_space<vmem>>, vector<16xf32>,
      %min3A_94 = arith.minimumf %min3A, %get3A_93 : vector<16xf32>
      %add3A_95 = arith.constant 1024 : i32
      %add3A_96 = arith.addi %add3A_95, %mul3A_64 : i32
      %get3A_97 = arith.index_cast %add3A_96 : i32 to index
      %get3A_98 = tpu.vector_load %arg14[%get3A_97] {strides = array<i32>} : memref<8192xf32, #tpu.memory_space<vmem>>, vector<16xf32>,
      %min3A_99 = arith.minimumf %min3A_80, %get3A_98 : vector<16xf32>
      %add3A_100 = arith.constant 1024 : i32
      %add3A_101 = arith.addi %add3A_100, %mul3A_64 : i32
      %get3A_102 = arith.index_cast %add3A_101 : i32 to index
      %get3A_103 = tpu.vector_load %arg15[%get3A_102] {strides = array<i32>} : memref<8192xf32, #tpu.memory_space<vmem>>, vector<16xf32>,
      %max3A_104 = arith.maximumf %max3A, %get3A_103 : vector<16xf32>
      %add3A_105 = arith.constant 1024 : i32
      %add3A_106 = arith.addi %add3A_105, %mul3A_64 : i32
      %get3A_107 = arith.index_cast %add3A_106 : i32 to index
      %get3A_108 = tpu.vector_load %arg16[%get3A_107] {strides = array<i32>} : memref<8192xf32, #tpu.memory_space<vmem>>, vector<16xf32>,
      %max3A_109 = arith.maximumf %max3A_89, %get3A_108 : vector<16xf32>
      %add3A_110 = arith.constant 1536 : i32
      %add3A_111 = arith.addi %add3A_110, %mul3A_64 : i32
      %get3A_112 = arith.index_cast %add3A_111 : i32 to index
      %get3A_113 = tpu.vector_load %arg13[%get3A_112] {strides = array<i32>} : memref<8192xf32, #tpu.memory_space<vmem>>, vector<16xf32>,
      %min3A_114 = arith.minimumf %min3A_94, %get3A_113 : vector<16xf32>
      %add3A_115 = arith.constant 1536 : i32
      %add3A_116 = arith.addi %add3A_115, %mul3A_64 : i32
      %get3A_117 = arith.index_cast %add3A_116 : i32 to index
      %get3A_118 = tpu.vector_load %arg14[%get3A_117] {strides = array<i32>} : memref<8192xf32, #tpu.memory_space<vmem>>, vector<16xf32>,
      %min3A_119 = arith.minimumf %min3A_99, %get3A_118 : vector<16xf32>
      %add3A_120 = arith.constant 1536 : i32
      %add3A_121 = arith.addi %add3A_120, %mul3A_64 : i32
      %get3A_122 = arith.index_cast %add3A_121 : i32 to index
      %get3A_123 = tpu.vector_load %arg15[%get3A_122] {strides = array<i32>} : memref<8192xf32, #tpu.memory_space<vmem>>, vector<16xf32>,
      %max3A_124 = arith.maximumf %max3A_104, %get3A_123 : vector<16xf32>
      %add3A_125 = arith.constant 1536 : i32
      %add3A_126 = arith.addi %add3A_125, %mul3A_64 : i32
      %get3A_127 = arith.index_cast %add3A_126 : i32 to index
      %get3A_128 = tpu.vector_load %arg16[%get3A_127] {strides = array<i32>} : memref<8192xf32, #tpu.memory_space<vmem>>, vector<16xf32>,
      %max3A_129 = arith.maximumf %max3A_109, %get3A_128 : vector<16xf32>
      %add3A_130 = arith.constant 2048 : i32
      %add3A_131 = arith.addi %add3A_130, %mul3A_64 : i32
      %get3A_132 = arith.index_cast %add3A_131 : i32 to index
      %get3A_133 = tpu.vector_load %arg13[%get3A_132] {strides = array<i32>} : memref<8192xf32, #tpu.memory_space<vmem>>, vector<16xf32>,
      %min3A_134 = arith.minimumf %min3A_114, %get3A_133 : vector<16xf32>
      %add3A_135 = arith.constant 2048 : i32
      %add3A_136 = arith.addi %add3A_135, %mul3A_64 : i32
      %get3A_137 = arith.index_cast %add3A_136 : i32 to index
      %get3A_138 = tpu.vector_load %arg14[%get3A_137] {strides = array<i32>} : memref<8192xf32, #tpu.memory_space<vmem>>, vector<16xf32>,
      %min3A_139 = arith.minimumf %min3A_119, %get3A_138 : vector<16xf32>
      %add3A_140 = arith.constant 2048 : i32
      %add3A_141 = arith.addi %add3A_140, %mul3A_64 : i32
      %get3A_142 = arith.index_cast %add3A_141 : i32 to index
      %get3A_143 = tpu.vector_load %arg15[%get3A_142] {strides = array<i32>} : memref<8192xf32, #tpu.memory_space<vmem>>, vector<16xf32>,
      %max3A_144 = arith.maximumf %max3A_124, %get3A_143 : vector<16xf32>
      %add3A_145 = arith.constant 2048 : i32
      %add3A_146 = arith.addi %add3A_145, %mul3A_64 : i32
      %get3A_147 = arith.index_cast %add3A_146 : i32 to index
      %get3A_148 = tpu.vector_load %arg16[%get3A_147] {strides = array<i32>} : memref<8192xf32, #tpu.memory_space<vmem>>, vector<16xf32>,
      %max3A_149 = arith.maximumf %max3A_129, %get3A_148 : vector<16xf32>
      %add3A_150 = arith.constant 2560 : i32
      %add3A_151 = arith.addi %add3A_150, %mul3A_64 : i32
      %get3A_152 = arith.index_cast %add3A_151 : i32 to index
      %get3A_153 = tpu.vector_load %arg13[%get3A_152] {strides = array<i32>} : memref<8192xf32, #tpu.memory_space<vmem>>, vector<16xf32>,
      %min3A_154 = arith.minimumf %min3A_134, %get3A_153 : vector<16xf32>
      %add3A_155 = arith.constant 2560 : i32
      %add3A_156 = arith.addi %add3A_155, %mul3A_64 : i32
      %get3A_157 = arith.index_cast %add3A_156 : i32 to index
      %get3A_158 = tpu.vector_load %arg14[%get3A_157] {strides = array<i32>} : memref<8192xf32, #tpu.memory_space<vmem>>, vector<16xf32>,
      %min3A_159 = arith.minimumf %min3A_139, %get3A_158 : vector<16xf32>
      %add3A_160 = arith.constant 2560 : i32
      %add3A_161 = arith.addi %add3A_160, %mul3A_64 : i32
      %get3A_162 = arith.index_cast %add3A_161 : i32 to index
      %get3A_163 = tpu.vector_load %arg15[%get3A_162] {strides = array<i32>} : memref<8192xf32, #tpu.memory_space<vmem>>, vector<16xf32>,
      %max3A_164 = arith.maximumf %max3A_144, %get3A_163 : vector<16xf32>
      %add3A_165 = arith.constant 2560 : i32
      %add3A_166 = arith.addi %add3A_165, %mul3A_64 : i32
      %get3A_167 = arith.index_cast %add3A_166 : i32 to index
      %get3A_168 = tpu.vector_load %arg16[%get3A_167] {strides = array<i32>} : memref<8192xf32, #tpu.memory_space<vmem>>, vector<16xf32>,
      %max3A_169 = arith.maximumf %max3A_149, %get3A_168 : vector<16xf32>
      %add3A_170 = arith.constant 3072 : i32
      %add3A_171 = arith.addi %add3A_170, %mul3A_64 : i32
      %get3A_172 = arith.index_cast %add3A_171 : i32 to index
      %get3A_173 = tpu.vector_load %arg13[%get3A_172] {strides = array<i32>} : memref<8192xf32, #tpu.memory_space<vmem>>, vector<16xf32>,
      %min3A_174 = arith.minimumf %min3A_154, %get3A_173 : vector<16xf32>
      %add3A_175 = arith.constant 3072 : i32
      %add3A_176 = arith.addi %add3A_175, %mul3A_64 : i32
      %get3A_177 = arith.index_cast %add3A_176 : i32 to index
      %get3A_178 = tpu.vector_load %arg14[%get3A_177] {strides = array<i32>} : memref<8192xf32, #tpu.memory_space<vmem>>, vector<16xf32>,
      %min3A_179 = arith.minimumf %min3A_159, %get3A_178 : vector<16xf32>
      %add3A_180 = arith.constant 3072 : i32
      %add3A_181 = arith.addi %add3A_180, %mul3A_64 : i32
      %get3A_182 = arith.index_cast %add3A_181 : i32 to index
      %get3A_183 = tpu.vector_load %arg15[%get3A_182] {strides = array<i32>} : memref<8192xf32, #tpu.memory_space<vmem>>, vector<16xf32>,
      %max3A_184 = arith.maximumf %max3A_164, %get3A_183 : vector<16xf32>
      %add3A_185 = arith.constant 3072 : i32
      %add3A_186 = arith.addi %add3A_185, %mul3A_64 : i32
      %get3A_187 = arith.index_cast %add3A_186 : i32 to index
      %get3A_188 = tpu.vector_load %arg16[%get3A_187] {strides = array<i32>} : memref<8192xf32, #tpu.memory_space<vmem>>, vector<16xf32>,
      %max3A_189 = arith.maximumf %max3A_169, %get3A_188 : vector<16xf32>
      %add3A_190 = arith.constant 3584 : i32
      %add3A_191 = arith.addi %add3A_190, %mul3A_64 : i32
      %get3A_192 = arith.index_cast %add3A_191 : i32 to index
      %get3A_193 = tpu.vector_load %arg13[%get3A_192] {strides = array<i32>} : memref<8192xf32, #tpu.memory_space<vmem>>, vector<16xf32>,
      %min3A_194 = arith.minimumf %min3A_174, %get3A_193 : vector<16xf32>
      %add3A_195 = arith.constant 3584 : i32
      %add3A_196 = arith.addi %add3A_195, %mul3A_64 : i32
      %get3A_197 = arith.index_cast %add3A_196 : i32 to index
      %get3A_198 = tpu.vector_load %arg14[%get3A_197] {strides = array<i32>} : memref<8192xf32, #tpu.memory_space<vmem>>, vector<16xf32>,
      %min3A_199 = arith.minimumf %min3A_179, %get3A_198 : vector<16xf32>
      %add3A_200 = arith.constant 3584 : i32
      %add3A_201 = arith.addi %add3A_200, %mul3A_64 : i32
      %get3A_202 = arith.index_cast %add3A_201 : i32 to index
      %get3A_203 = tpu.vector_load %arg15[%get3A_202] {strides = array<i32>} : memref<8192xf32, #tpu.memory_space<vmem>>, vector<16xf32>,
      %max3A_204 = arith.maximumf %max3A_184, %get3A_203 : vector<16xf32>
      %add3A_205 = arith.constant 3584 : i32
      %add3A_206 = arith.addi %add3A_205, %mul3A_64 : i32
      %get3A_207 = arith.index_cast %add3A_206 : i32 to index
      %get3A_208 = tpu.vector_load %arg16[%get3A_207] {strides = array<i32>} : memref<8192xf32, #tpu.memory_space<vmem>>, vector<16xf32>,
      %max3A_209 = arith.maximumf %max3A_189, %get3A_208 : vector<16xf32>
      %add3A_210 = arith.constant 4096 : i32
      %add3A_211 = arith.addi %add3A_210, %mul3A_64 : i32
      %get3A_212 = arith.index_cast %add3A_211 : i32 to index
      %get3A_213 = tpu.vector_load %arg13[%get3A_212] {strides = array<i32>} : memref<8192xf32, #tpu.memory_space<vmem>>, vector<16xf32>,
      %min3A_214 = arith.minimumf %min3A_194, %get3A_213 : vector<16xf32>
      %add3A_215 = arith.constant 4096 : i32
      %add3A_216 = arith.addi %add3A_215, %mul3A_64 : i32
      %get3A_217 = arith.index_cast %add3A_216 : i32 to index
      %get3A_218 = tpu.vector_load %arg14[%get3A_217] {strides = array<i32>} : memref<8192xf32, #tpu.memory_space<vmem>>, vector<16xf32>,
      %min3A_219 = arith.minimumf %min3A_199, %get3A_218 : vector<16xf32>
      %add3A_220 = arith.constant 4096 : i32
      %add3A_221 = arith.addi %add3A_220, %mul3A_64 : i32
      %get3A_222 = arith.index_cast %add3A_221 : i32 to index
      %get3A_223 = tpu.vector_load %arg15[%get3A_222] {strides = array<i32>} : memref<8192xf32, #tpu.memory_space<vmem>>, vector<16xf32>,
      %max3A_224 = arith.maximumf %max3A_204, %get3A_223 : vector<16xf32>
      %add3A_225 = arith.constant 4096 : i32
      %add3A_226 = arith.addi %add3A_225, %mul3A_64 : i32
      %get3A_227 = arith.index_cast %add3A_226 : i32 to index
      %get3A_228 = tpu.vector_load %arg16[%get3A_227] {strides = array<i32>} : memref<8192xf32, #tpu.memory_space<vmem>>, vector<16xf32>,
      %max3A_229 = arith.maximumf %max3A_209, %get3A_228 : vector<16xf32>
      %add3A_230 = arith.constant 4608 : i32
      %add3A_231 = arith.addi %add3A_230, %mul3A_64 : i32
      %get3A_232 = arith.index_cast %add3A_231 : i32 to index
      %get3A_233 = tpu.vector_load %arg13[%get3A_232] {strides = array<i32>} : memref<8192xf32, #tpu.memory_space<vmem>>, vector<16xf32>,
      %min3A_234 = arith.minimumf %min3A_214, %get3A_233 : vector<16xf32>
      %add3A_235 = arith.constant 4608 : i32
      %add3A_236 = arith.addi %add3A_235, %mul3A_64 : i32
      %get3A_237 = arith.index_cast %add3A_236 : i32 to index
      %get3A_238 = tpu.vector_load %arg14[%get3A_237] {strides = array<i32>} : memref<8192xf32, #tpu.memory_space<vmem>>, vector<16xf32>,
      %min3A_239 = arith.minimumf %min3A_219, %get3A_238 : vector<16xf32>
      %add3A_240 = arith.constant 4608 : i32
      %add3A_241 = arith.addi %add3A_240, %mul3A_64 : i32
      %get3A_242 = arith.index_cast %add3A_241 : i32 to index
      %get3A_243 = tpu.vector_load %arg15[%get3A_242] {strides = array<i32>} : memref<8192xf32, #tpu.memory_space<vmem>>, vector<16xf32>,
      %max3A_244 = arith.maximumf %max3A_224, %get3A_243 : vector<16xf32>
      %add3A_245 = arith.constant 4608 : i32
      %add3A_246 = arith.addi %add3A_245, %mul3A_64 : i32
      %get3A_247 = arith.index_cast %add3A_246 : i32 to index
      %get3A_248 = tpu.vector_load %arg16[%get3A_247] {strides = array<i32>} : memref<8192xf32, #tpu.memory_space<vmem>>, vector<16xf32>,
      %max3A_249 = arith.maximumf %max3A_229, %get3A_248 : vector<16xf32>
      %add3A_250 = arith.constant 5120 : i32
      %add3A_251 = arith.addi %add3A_250, %mul3A_64 : i32
      %get3A_252 = arith.index_cast %add3A_251 : i32 to index
      %get3A_253 = tpu.vector_load %arg13[%get3A_252] {strides = array<i32>} : memref<8192xf32, #tpu.memory_space<vmem>>, vector<16xf32>,
      %min3A_254 = arith.minimumf %min3A_234, %get3A_253 : vector<16xf32>
      %add3A_255 = arith.constant 5120 : i32
      %add3A_256 = arith.addi %add3A_255, %mul3A_64 : i32
      %get3A_257 = arith.index_cast %add3A_256 : i32 to index
      %get3A_258 = tpu.vector_load %arg14[%get3A_257] {strides = array<i32>} : memref<8192xf32, #tpu.memory_space<vmem>>, vector<16xf32>,
      %min3A_259 = arith.minimumf %min3A_239, %get3A_258 : vector<16xf32>
      %add3A_260 = arith.constant 5120 : i32
      %add3A_261 = arith.addi %add3A_260, %mul3A_64 : i32
      %get3A_262 = arith.index_cast %add3A_261 : i32 to index
      %get3A_263 = tpu.vector_load %arg15[%get3A_262] {strides = array<i32>} : memref<8192xf32, #tpu.memory_space<vmem>>, vector<16xf32>,
      %max3A_264 = arith.maximumf %max3A_244, %get3A_263 : vector<16xf32>
      %add3A_265 = arith.constant 5120 : i32
      %add3A_266 = arith.addi %add3A_265, %mul3A_64 : i32
      %get3A_267 = arith.index_cast %add3A_266 : i32 to index
      %get3A_268 = tpu.vector_load %arg16[%get3A_267] {strides = array<i32>} : memref<8192xf32, #tpu.memory_space<vmem>>, vector<16xf32>,
      %max3A_269 = arith.maximumf %max3A_249, %get3A_268 : vector<16xf32>
      %add3A_270 = arith.constant 5632 : i32
      %add3A_271 = arith.addi %add3A_270, %mul3A_64 : i32
      %get3A_272 = arith.index_cast %add3A_271 : i32 to index
      %get3A_273 = tpu.vector_load %arg13[%get3A_272] {strides = array<i32>} : memref<8192xf32, #tpu.memory_space<vmem>>, vector<16xf32>,
      %min3A_274 = arith.minimumf %min3A_254, %get3A_273 : vector<16xf32>
      %add3A_275 = arith.constant 5632 : i32
      %add3A_276 = arith.addi %add3A_275, %mul3A_64 : i32
      %get3A_277 = arith.index_cast %add3A_276 : i32 to index
      %get3A_278 = tpu.vector_load %arg14[%get3A_277] {strides = array<i32>} : memref<8192xf32, #tpu.memory_space<vmem>>, vector<16xf32>,
      %min3A_279 = arith.minimumf %min3A_259, %get3A_278 : vector<16xf32>
      %add3A_280 = arith.constant 5632 : i32
      %add3A_281 = arith.addi %add3A_280, %mul3A_64 : i32
      %get3A_282 = arith.index_cast %add3A_281 : i32 to index
      %get3A_283 = tpu.vector_load %arg15[%get3A_282] {strides = array<i32>} : memref<8192xf32, #tpu.memory_space<vmem>>, vector<16xf32>,
      %max3A_284 = arith.maximumf %max3A_264, %get3A_283 : vector<16xf32>
      %add3A_285 = arith.constant 5632 : i32
      %add3A_286 = arith.addi %add3A_285, %mul3A_64 : i32
      %get3A_287 = arith.index_cast %add3A_286 : i32 to index
      %get3A_288 = tpu.vector_load %arg16[%get3A_287] {strides = array<i32>} : memref<8192xf32, #tpu.memory_space<vmem>>, vector<16xf32>,
      %max3A_289 = arith.maximumf %max3A_269, %get3A_288 : vector<16xf32>
      %add3A_290 = arith.constant 6144 : i32
      %add3A_291 = arith.addi %add3A_290, %mul3A_64 : i32
      %get3A_292 = arith.index_cast %add3A_291 : i32 to index
      %get3A_293 = tpu.vector_load %arg13[%get3A_292] {strides = array<i32>} : memref<8192xf32, #tpu.memory_space<vmem>>, vector<16xf32>,
      %min3A_294 = arith.minimumf %min3A_274, %get3A_293 : vector<16xf32>
      %add3A_295 = arith.constant 6144 : i32
      %add3A_296 = arith.addi %add3A_295, %mul3A_64 : i32
      %get3A_297 = arith.index_cast %add3A_296 : i32 to index
      %get3A_298 = tpu.vector_load %arg14[%get3A_297] {strides = array<i32>} : memref<8192xf32, #tpu.memory_space<vmem>>, vector<16xf32>,
      %min3A_299 = arith.minimumf %min3A_279, %get3A_298 : vector<16xf32>
      %add3A_300 = arith.constant 6144 : i32
      %add3A_301 = arith.addi %add3A_300, %mul3A_64 : i32
      %get3A_302 = arith.index_cast %add3A_301 : i32 to index
      %get3A_303 = tpu.vector_load %arg15[%get3A_302] {strides = array<i32>} : memref<8192xf32, #tpu.memory_space<vmem>>, vector<16xf32>,
      %max3A_304 = arith.maximumf %max3A_284, %get3A_303 : vector<16xf32>
      %add3A_305 = arith.constant 6144 : i32
      %add3A_306 = arith.addi %add3A_305, %mul3A_64 : i32
      %get3A_307 = arith.index_cast %add3A_306 : i32 to index
      %get3A_308 = tpu.vector_load %arg16[%get3A_307] {strides = array<i32>} : memref<8192xf32, #tpu.memory_space<vmem>>, vector<16xf32>,
      %max3A_309 = arith.maximumf %max3A_289, %get3A_308 : vector<16xf32>
      %add3A_310 = arith.constant 6656 : i32
      %add3A_311 = arith.addi %add3A_310, %mul3A_64 : i32
      %get3A_312 = arith.index_cast %add3A_311 : i32 to index
      %get3A_313 = tpu.vector_load %arg13[%get3A_312] {strides = array<i32>} : memref<8192xf32, #tpu.memory_space<vmem>>, vector<16xf32>,
      %min3A_314 = arith.minimumf %min3A_294, %get3A_313 : vector<16xf32>
      %add3A_315 = arith.constant 6656 : i32
      %add3A_316 = arith.addi %add3A_315, %mul3A_64 : i32
      %get3A_317 = arith.index_cast %add3A_316 : i32 to index
      %get3A_318 = tpu.vector_load %arg14[%get3A_317] {strides = array<i32>} : memref<8192xf32, #tpu.memory_space<vmem>>, vector<16xf32>,
      %min3A_319 = arith.minimumf %min3A_299, %get3A_318 : vector<16xf32>
      %add3A_320 = arith.constant 6656 : i32
      %add3A_321 = arith.addi %add3A_320, %mul3A_64 : i32
      %get3A_322 = arith.index_cast %add3A_321 : i32 to index
      %get3A_323 = tpu.vector_load %arg15[%get3A_322] {strides = array<i32>} : memref<8192xf32, #tpu.memory_space<vmem>>, vector<16xf32>,
      %max3A_324 = arith.maximumf %max3A_304, %get3A_323 : vector<16xf32>
      %add3A_325 = arith.constant 6656 : i32
      %add3A_326 = arith.addi %add3A_325, %mul3A_64 : i32
      %get3A_327 = arith.index_cast %add3A_326 : i32 to index
      %get3A_328 = tpu.vector_load %arg16[%get3A_327] {strides = array<i32>} : memref<8192xf32, #tpu.memory_space<vmem>>, vector<16xf32>,
      %max3A_329 = arith.maximumf %max3A_309, %get3A_328 : vector<16xf32>
      %add3A_330 = arith.constant 7168 : i32
      %add3A_331 = arith.addi %add3A_330, %mul3A_64 : i32
      %get3A_332 = arith.index_cast %add3A_331 : i32 to index
      %get3A_333 = tpu.vector_load %arg13[%get3A_332] {strides = array<i32>} : memref<8192xf32, #tpu.memory_space<vmem>>, vector<16xf32>,
      %min3A_334 = arith.minimumf %min3A_314, %get3A_333 : vector<16xf32>
      %add3A_335 = arith.constant 7168 : i32
      %add3A_336 = arith.addi %add3A_335, %mul3A_64 : i32
      %get3A_337 = arith.index_cast %add3A_336 : i32 to index
      %get3A_338 = tpu.vector_load %arg14[%get3A_337] {strides = array<i32>} : memref<8192xf32, #tpu.memory_space<vmem>>, vector<16xf32>,
      %min3A_339 = arith.minimumf %min3A_319, %get3A_338 : vector<16xf32>
      %add3A_340 = arith.constant 7168 : i32
      %add3A_341 = arith.addi %add3A_340, %mul3A_64 : i32
      %get3A_342 = arith.index_cast %add3A_341 : i32 to index
      %get3A_343 = tpu.vector_load %arg15[%get3A_342] {strides = array<i32>} : memref<8192xf32, #tpu.memory_space<vmem>>, vector<16xf32>,
      %max3A_344 = arith.maximumf %max3A_324, %get3A_343 : vector<16xf32>
      %add3A_345 = arith.constant 7168 : i32
      %add3A_346 = arith.addi %add3A_345, %mul3A_64 : i32
      %get3A_347 = arith.index_cast %add3A_346 : i32 to index
      %get3A_348 = tpu.vector_load %arg16[%get3A_347] {strides = array<i32>} : memref<8192xf32, #tpu.memory_space<vmem>>, vector<16xf32>,
      %max3A_349 = arith.maximumf %max3A_329, %get3A_348 : vector<16xf32>
      %add3A_350 = arith.constant 7680 : i32
      %add3A_351 = arith.addi %add3A_350, %mul3A_64 : i32
      %get3A_352 = arith.index_cast %add3A_351 : i32 to index
      %get3A_353 = tpu.vector_load %arg13[%get3A_352] {strides = array<i32>} : memref<8192xf32, #tpu.memory_space<vmem>>, vector<16xf32>,
      %min3A_354 = arith.minimumf %min3A_334, %get3A_353 : vector<16xf32>
      %add3A_355 = arith.constant 7680 : i32
      %add3A_356 = arith.addi %add3A_355, %mul3A_64 : i32
      %get3A_357 = arith.index_cast %add3A_356 : i32 to index
      %get3A_358 = tpu.vector_load %arg14[%get3A_357] {strides = array<i32>} : memref<8192xf32, #tpu.memory_space<vmem>>, vector<16xf32>,
      %min3A_359 = arith.minimumf %min3A_339, %get3A_358 : vector<16xf32>
      %add3A_360 = arith.constant 7680 : i32
      %add3A_361 = arith.addi %add3A_360, %mul3A_64 : i32
      %get3A_362 = arith.index_cast %add3A_361 : i32 to index
      %get3A_363 = tpu.vector_load %arg15[%get3A_362] {strides = array<i32>} : memref<8192xf32, #tpu.memory_space<vmem>>, vector<16xf32>,
      %max3A_364 = arith.maximumf %max3A_344, %get3A_363 : vector<16xf32>
      %add3A_365 = arith.constant 7680 : i32
      %add3A_366 = arith.addi %add3A_365, %mul3A_64 : i32
      %get3A_367 = arith.index_cast %add3A_366 : i32 to index
      %get3A_368 = tpu.vector_load %arg16[%get3A_367] {strides = array<i32>} : memref<8192xf32, #tpu.memory_space<vmem>>, vector<16xf32>,
      %max3A_369 = arith.maximumf %max3A_349, %get3A_368 : vector<16xf32>
      %swap3A = arith.constant 0 : i32
      %swap3A_370 = arith.index_cast %swap3A : i32 to index
      %swap3A_371 = arith.index_cast %mul3A_64 : i32 to index
      %swap3A_372 = tpu.vector_load %arg17[%swap3A_370, %swap3A_371] {strides = array<i32>} : memref<4x512xf32, #tpu.memory_space<vmem>>, vector<16xf32>,
      tpu.vector_store %arg17[%swap3A_370, %swap3A_371], %min3A_354 {strides = array<i32>} : memref<4x512xf32, #tpu.memory_space<vmem>>, vector<16xf32>,
      %swap3A_373 = arith.constant 1 : i32
      %swap3A_374 = arith.index_cast %swap3A_373 : i32 to index
      %swap3A_375 = arith.index_cast %mul3A_64 : i32 to index
      %swap3A_376 = tpu.vector_load %arg17[%swap3A_374, %swap3A_375] {strides = array<i32>} : memref<4x512xf32, #tpu.memory_space<vmem>>, vector<16xf32>,
      tpu.vector_store %arg17[%swap3A_374, %swap3A_375], %min3A_359 {strides = array<i32>} : memref<4x512xf32, #tpu.memory_space<vmem>>, vector<16xf32>,
      %swap3A_377 = arith.constant 2 : i32
      %swap3A_378 = arith.index_cast %swap3A_377 : i32 to index
      %swap3A_379 = arith.index_cast %mul3A_64 : i32 to index
      %swap3A_380 = tpu.vector_load %arg17[%swap3A_378, %swap3A_379] {strides = array<i32>} : memref<4x512xf32, #tpu.memory_space<vmem>>, vector<16xf32>,
      tpu.vector_store %arg17[%swap3A_378, %swap3A_379], %max3A_364 {strides = array<i32>} : memref<4x512xf32, #tpu.memory_space<vmem>>, vector<16xf32>,
      %swap3A_381 = arith.constant 3 : i32
      %swap3A_382 = arith.index_cast %swap3A_381 : i32 to index
      %swap3A_383 = arith.index_cast %mul3A_64 : i32 to index
      %swap3A_384 = tpu.vector_load %arg17[%swap3A_382, %swap3A_383] {strides = array<i32>} : memref<4x512xf32, #tpu.memory_space<vmem>>, vector<16xf32>,
      tpu.vector_store %arg17[%swap3A_382, %swap3A_383], %max3A_369 {strides = array<i32>} : memref<4x512xf32, #tpu.memory_space<vmem>>, vector<16xf32>,
    }
    %scan3A_58 = arith.constant 32 : i32
    "tpu.region"() ({
      %run_scoped3A = tpu.sem_alloc : memref<!tpu.dma_semaphore, #tpu.memory_space<semaphore_mem>>
      %dma_start3A = arith.constant 0 : i32
      %dma_start3A_62 = arith.constant 0 : i32
      %dma_start3A_63 = tpu.memref_slice %arg19[%arg1, %dma_start3A, %dma_start3A_62] : memref<16x4x512xf32, #tpu.memory_space<vmem_shared>> -> memref<1x4x512xf32, #tpu.memory_space<vmem_shared>>
      %dma_start3A_64 = tpu.memref_squeeze %dma_start3A_63 : memref<1x4x512xf32, #tpu.memory_space<vmem_shared>> -> memref<4x512xf32, #tpu.memory_space<vmem_shared>>
      %dma_start3A_65 = arith.constant 0 : i32
      %dma_start3A_66 = arith.constant 0 : i32
      %dma_start3A_67 = tpu.memref_slice %arg19[%arg1, %dma_start3A_65, %dma_start3A_66] : memref<16x4x512xf32, #tpu.memory_space<vmem_shared>> -> memref<1x4x512xf32, #tpu.memory_space<vmem_shared>>
      %dma_start3A_68 = tpu.memref_squeeze %dma_start3A_67 : memref<1x4x512xf32, #tpu.memory_space<vmem_shared>> -> memref<4x512xf32, #tpu.memory_space<vmem_shared>>
      tpu.enqueue_dma source(%arg17 : memref<4x512xf32, #tpu.memory_space<vmem>>) target(%dma_start3A_68 : memref<4x512xf32, #tpu.memory_space<vmem_shared>>) target_semaphore(%run_scoped3A : memref<!tpu.dma_semaphore, #tpu.memory_space<semaphore_mem>>)
      %dma_wait3A = arith.constant 0 : i32
      %dma_wait3A_69 = arith.constant 0 : i32
      %dma_wait3A_70 = tpu.memref_slice %arg19[%arg1, %dma_wait3A, %dma_wait3A_69] : memref<16x4x512xf32, #tpu.memory_space<vmem_shared>> -> memref<1x4x512xf32, #tpu.memory_space<vmem_shared>>
      %dma_wait3A_71 = tpu.memref_squeeze %dma_wait3A_70 : memref<1x4x512xf32, #tpu.memory_space<vmem_shared>> -> memref<4x512xf32, #tpu.memory_space<vmem_shared>>
      %dma_wait3A_72 = arith.constant 0 : i32
      %dma_wait3A_73 = arith.constant 0 : i32
      %dma_wait3A_74 = tpu.memref_slice %arg19[%arg1, %dma_wait3A_72, %dma_wait3A_73] : memref<16x4x512xf32, #tpu.memory_space<vmem_shared>> -> memref<1x4x512xf32, #tpu.memory_space<vmem_shared>>
      %dma_wait3A_75 = tpu.memref_squeeze %dma_wait3A_74 : memref<1x4x512xf32, #tpu.memory_space<vmem_shared>> -> memref<4x512xf32, #tpu.memory_space<vmem_shared>>
      tpu.wait_dma2 semaphore(%run_scoped3A : memref<!tpu.dma_semaphore, #tpu.memory_space<semaphore_mem>>) src(%arg17 : memref<4x512xf32, #tpu.memory_space<vmem>>) dst(%dma_wait3A_75 : memref<4x512xf32, #tpu.memory_space<vmem_shared>>)
      tpu.yield
    }) : () -> ()
    %barrier3A = arith.constant 0 : index
    tpu.barrier barrier_id(%barrier3A)
    %eq3A_59 = arith.constant 0 : i32
    %eq3A_60 = arith.cmpi eq, %select_n3A_30, %eq3A_59 : i32
    %convert_element_type3A = arith.extui %eq3A_60 : i1 to i32
    %cond3A = arith.constant 0 : i32
    %cond3A_61 = arith.cmpi ne, %convert_element_type3A, %cond3A : i32
    scf.if %cond3A_61 {
      "tpu.region"() ({
        %run_scoped3A = tpu.sem_alloc : memref<!tpu.dma_semaphore, #tpu.memory_space<semaphore_mem>>
        %dma_start3A = arith.constant 0 : i32
        %dma_start3A_68 = arith.constant 0 : i32
        %dma_start3A_69 = tpu.memref_slice %arg19[%arg1, %dma_start3A, %dma_start3A_68] : memref<16x4x512xf32, #tpu.memory_space<vmem_shared>> -> memref<4x4x512xf32, #tpu.memory_space<vmem_shared>>
        %dma_start3A_70 = arith.constant 0 : i32
        %dma_start3A_71 = arith.constant 0 : i32
        %dma_start3A_72 = tpu.memref_slice %arg19[%arg1, %dma_start3A_70, %dma_start3A_71] : memref<16x4x512xf32, #tpu.memory_space<vmem_shared>> -> memref<4x4x512xf32, #tpu.memory_space<vmem_shared>>
        tpu.enqueue_dma source(%dma_start3A_72 : memref<4x4x512xf32, #tpu.memory_space<vmem_shared>>) target(%arg18 : memref<4x4x512xf32, #tpu.memory_space<vmem>>) target_semaphore(%run_scoped3A : memref<!tpu.dma_semaphore, #tpu.memory_space<semaphore_mem>>)
        %dma_wait3A = arith.constant 0 : i32
        %dma_wait3A_73 = arith.constant 0 : i32
        %dma_wait3A_74 = tpu.memref_slice %arg19[%arg1, %dma_wait3A, %dma_wait3A_73] : memref<16x4x512xf32, #tpu.memory_space<vmem_shared>> -> memref<4x4x512xf32, #tpu.memory_space<vmem_shared>>
        %dma_wait3A_75 = arith.constant 0 : i32
        %dma_wait3A_76 = arith.constant 0 : i32
        %dma_wait3A_77 = tpu.memref_slice %arg19[%arg1, %dma_wait3A_75, %dma_wait3A_76] : memref<16x4x512xf32, #tpu.memory_space<vmem_shared>> -> memref<4x4x512xf32, #tpu.memory_space<vmem_shared>>
        tpu.wait_dma2 semaphore(%run_scoped3A : memref<!tpu.dma_semaphore, #tpu.memory_space<semaphore_mem>>) src(%dma_wait3A_77 : memref<4x4x512xf32, #tpu.memory_space<vmem_shared>>) dst(%arg18 : memref<4x4x512xf32, #tpu.memory_space<vmem>>)
        tpu.yield
      }) : () -> ()
      %scan3A_62 = arith.constant 0 : i32
      %scan3A_63 = arith.constant 0 : i32
      %scan3A_64 = arith.constant 32 : i32
      %scan3A_65 = arith.addi %scan3A_63, %scan3A_64 : i32
      %scan3A_66 = arith.constant 1 : i32
      scf.for %scan3A_68 = %scan3A_63 to %scan3A_65 step %scan3A_66  : i32 {
        %mul3A_69 = arith.constant 16 : i32
        %mul3A_70 = arith.muli %scan3A_68, %mul3A_69 : i32
        %get3A = arith.constant 0 : i32
        %get3A_71 = arith.constant 0 : i32
        %get3A_72 = arith.index_cast %get3A : i32 to index
        %get3A_73 = arith.index_cast %get3A_71 : i32 to index
        %get3A_74 = arith.index_cast %mul3A_70 : i32 to index
        %get3A_75 = tpu.vector_load %arg18[%get3A_72, %get3A_73, %get3A_74] {strides = array<i32>} : memref<4x4x512xf32, #tpu.memory_space<vmem>>, vector<16xf32>,
        %get3A_76 = arith.constant 1 : i32
        %get3A_77 = arith.constant 0 : i32
        %get3A_78 = arith.index_cast %get3A_76 : i32 to index
        %get3A_79 = arith.index_cast %get3A_77 : i32 to index
        %get3A_80 = arith.index_cast %mul3A_70 : i32 to index
        %get3A_81 = tpu.vector_load %arg18[%get3A_78, %get3A_79, %get3A_80] {strides = array<i32>} : memref<4x4x512xf32, #tpu.memory_space<vmem>>, vector<16xf32>,
        %min3A = arith.minimumf %get3A_75, %get3A_81 : vector<16xf32>
        %get3A_82 = arith.constant 2 : i32
        %get3A_83 = arith.constant 0 : i32
        %get3A_84 = arith.index_cast %get3A_82 : i32 to index
        %get3A_85 = arith.index_cast %get3A_83 : i32 to index
        %get3A_86 = arith.index_cast %mul3A_70 : i32 to index
        %get3A_87 = tpu.vector_load %arg18[%get3A_84, %get3A_85, %get3A_86] {strides = array<i32>} : memref<4x4x512xf32, #tpu.memory_space<vmem>>, vector<16xf32>,
        %min3A_88 = arith.minimumf %min3A, %get3A_87 : vector<16xf32>
        %get3A_89 = arith.constant 3 : i32
        %get3A_90 = arith.constant 0 : i32
        %get3A_91 = arith.index_cast %get3A_89 : i32 to index
        %get3A_92 = arith.index_cast %get3A_90 : i32 to index
        %get3A_93 = arith.index_cast %mul3A_70 : i32 to index
        %get3A_94 = tpu.vector_load %arg18[%get3A_91, %get3A_92, %get3A_93] {strides = array<i32>} : memref<4x4x512xf32, #tpu.memory_space<vmem>>, vector<16xf32>,
        %min3A_95 = arith.minimumf %min3A_88, %get3A_94 : vector<16xf32>
        %swap3A = arith.constant 0 : i32
        %swap3A_96 = arith.index_cast %swap3A : i32 to index
        %swap3A_97 = arith.index_cast %mul3A_70 : i32 to index
        %swap3A_98 = tpu.vector_load %arg17[%swap3A_96, %swap3A_97] {strides = array<i32>} : memref<4x512xf32, #tpu.memory_space<vmem>>, vector<16xf32>,
        tpu.vector_store %arg17[%swap3A_96, %swap3A_97], %min3A_95 {strides = array<i32>} : memref<4x512xf32, #tpu.memory_space<vmem>>, vector<16xf32>,
        %get3A_99 = arith.constant 0 : i32
        %get3A_100 = arith.constant 1 : i32
        %get3A_101 = arith.index_cast %get3A_99 : i32 to index
        %get3A_102 = arith.index_cast %get3A_100 : i32 to index
        %get3A_103 = arith.index_cast %mul3A_70 : i32 to index
        %get3A_104 = tpu.vector_load %arg18[%get3A_101, %get3A_102, %get3A_103] {strides = array<i32>} : memref<4x4x512xf32, #tpu.memory_space<vmem>>, vector<16xf32>,
        %get3A_105 = arith.constant 1 : i32
        %get3A_106 = arith.constant 1 : i32
        %get3A_107 = arith.index_cast %get3A_105 : i32 to index
        %get3A_108 = arith.index_cast %get3A_106 : i32 to index
        %get3A_109 = arith.index_cast %mul3A_70 : i32 to index
        %get3A_110 = tpu.vector_load %arg18[%get3A_107, %get3A_108, %get3A_109] {strides = array<i32>} : memref<4x4x512xf32, #tpu.memory_space<vmem>>, vector<16xf32>,
        %min3A_111 = arith.minimumf %get3A_104, %get3A_110 : vector<16xf32>
        %get3A_112 = arith.constant 2 : i32
        %get3A_113 = arith.constant 1 : i32
        %get3A_114 = arith.index_cast %get3A_112 : i32 to index
        %get3A_115 = arith.index_cast %get3A_113 : i32 to index
        %get3A_116 = arith.index_cast %mul3A_70 : i32 to index
        %get3A_117 = tpu.vector_load %arg18[%get3A_114, %get3A_115, %get3A_116] {strides = array<i32>} : memref<4x4x512xf32, #tpu.memory_space<vmem>>, vector<16xf32>,
        %min3A_118 = arith.minimumf %min3A_111, %get3A_117 : vector<16xf32>
        %get3A_119 = arith.constant 3 : i32
        %get3A_120 = arith.constant 1 : i32
        %get3A_121 = arith.index_cast %get3A_119 : i32 to index
        %get3A_122 = arith.index_cast %get3A_120 : i32 to index
        %get3A_123 = arith.index_cast %mul3A_70 : i32 to index
        %get3A_124 = tpu.vector_load %arg18[%get3A_121, %get3A_122, %get3A_123] {strides = array<i32>} : memref<4x4x512xf32, #tpu.memory_space<vmem>>, vector<16xf32>,
        %min3A_125 = arith.minimumf %min3A_118, %get3A_124 : vector<16xf32>
        %swap3A_126 = arith.constant 1 : i32
        %swap3A_127 = arith.index_cast %swap3A_126 : i32 to index
        %swap3A_128 = arith.index_cast %mul3A_70 : i32 to index
        %swap3A_129 = tpu.vector_load %arg17[%swap3A_127, %swap3A_128] {strides = array<i32>} : memref<4x512xf32, #tpu.memory_space<vmem>>, vector<16xf32>,
        tpu.vector_store %arg17[%swap3A_127, %swap3A_128], %min3A_125 {strides = array<i32>} : memref<4x512xf32, #tpu.memory_space<vmem>>, vector<16xf32>,
        %get3A_130 = arith.constant 0 : i32
        %get3A_131 = arith.constant 2 : i32
        %get3A_132 = arith.index_cast %get3A_130 : i32 to index
        %get3A_133 = arith.index_cast %get3A_131 : i32 to index
        %get3A_134 = arith.index_cast %mul3A_70 : i32 to index
        %get3A_135 = tpu.vector_load %arg18[%get3A_132, %get3A_133, %get3A_134] {strides = array<i32>} : memref<4x4x512xf32, #tpu.memory_space<vmem>>, vector<16xf32>,
        %get3A_136 = arith.constant 1 : i32
        %get3A_137 = arith.constant 2 : i32
        %get3A_138 = arith.index_cast %get3A_136 : i32 to index
        %get3A_139 = arith.index_cast %get3A_137 : i32 to index
        %get3A_140 = arith.index_cast %mul3A_70 : i32 to index
        %get3A_141 = tpu.vector_load %arg18[%get3A_138, %get3A_139, %get3A_140] {strides = array<i32>} : memref<4x4x512xf32, #tpu.memory_space<vmem>>, vector<16xf32>,
        %max3A = arith.maximumf %get3A_135, %get3A_141 : vector<16xf32>
        %get3A_142 = arith.constant 2 : i32
        %get3A_143 = arith.constant 2 : i32
        %get3A_144 = arith.index_cast %get3A_142 : i32 to index
        %get3A_145 = arith.index_cast %get3A_143 : i32 to index
        %get3A_146 = arith.index_cast %mul3A_70 : i32 to index
        %get3A_147 = tpu.vector_load %arg18[%get3A_144, %get3A_145, %get3A_146] {strides = array<i32>} : memref<4x4x512xf32, #tpu.memory_space<vmem>>, vector<16xf32>,
        %max3A_148 = arith.maximumf %max3A, %get3A_147 : vector<16xf32>
        %get3A_149 = arith.constant 3 : i32
        %get3A_150 = arith.constant 2 : i32
        %get3A_151 = arith.index_cast %get3A_149 : i32 to index
        %get3A_152 = arith.index_cast %get3A_150 : i32 to index
        %get3A_153 = arith.index_cast %mul3A_70 : i32 to index
        %get3A_154 = tpu.vector_load %arg18[%get3A_151, %get3A_152, %get3A_153] {strides = array<i32>} : memref<4x4x512xf32, #tpu.memory_space<vmem>>, vector<16xf32>,
        %max3A_155 = arith.maximumf %max3A_148, %get3A_154 : vector<16xf32>
        %swap3A_156 = arith.constant 2 : i32
        %swap3A_157 = arith.index_cast %swap3A_156 : i32 to index
        %swap3A_158 = arith.index_cast %mul3A_70 : i32 to index
        %swap3A_159 = tpu.vector_load %arg17[%swap3A_157, %swap3A_158] {strides = array<i32>} : memref<4x512xf32, #tpu.memory_space<vmem>>, vector<16xf32>,
        tpu.vector_store %arg17[%swap3A_157, %swap3A_158], %max3A_155 {strides = array<i32>} : memref<4x512xf32, #tpu.memory_space<vmem>>, vector<16xf32>,
        %get3A_160 = arith.constant 0 : i32
        %get3A_161 = arith.constant 3 : i32
        %get3A_162 = arith.index_cast %get3A_160 : i32 to index
        %get3A_163 = arith.index_cast %get3A_161 : i32 to index
        %get3A_164 = arith.index_cast %mul3A_70 : i32 to index
        %get3A_165 = tpu.vector_load %arg18[%get3A_162, %get3A_163, %get3A_164] {strides = array<i32>} : memref<4x4x512xf32, #tpu.memory_space<vmem>>, vector<16xf32>,
        %get3A_166 = arith.constant 1 : i32
        %get3A_167 = arith.constant 3 : i32
        %get3A_168 = arith.index_cast %get3A_166 : i32 to index
        %get3A_169 = arith.index_cast %get3A_167 : i32 to index
        %get3A_170 = arith.index_cast %mul3A_70 : i32 to index
        %get3A_171 = tpu.vector_load %arg18[%get3A_168, %get3A_169, %get3A_170] {strides = array<i32>} : memref<4x4x512xf32, #tpu.memory_space<vmem>>, vector<16xf32>,
        %max3A_172 = arith.maximumf %get3A_165, %get3A_171 : vector<16xf32>
        %get3A_173 = arith.constant 2 : i32
        %get3A_174 = arith.constant 3 : i32
        %get3A_175 = arith.index_cast %get3A_173 : i32 to index
        %get3A_176 = arith.index_cast %get3A_174 : i32 to index
        %get3A_177 = arith.index_cast %mul3A_70 : i32 to index
        %get3A_178 = tpu.vector_load %arg18[%get3A_175, %get3A_176, %get3A_177] {strides = array<i32>} : memref<4x4x512xf32, #tpu.memory_space<vmem>>, vector<16xf32>,
        %max3A_179 = arith.maximumf %max3A_172, %get3A_178 : vector<16xf32>
        %get3A_180 = arith.constant 3 : i32
        %get3A_181 = arith.constant 3 : i32
        %get3A_182 = arith.index_cast %get3A_180 : i32 to index
        %get3A_183 = arith.index_cast %get3A_181 : i32 to index
        %get3A_184 = arith.index_cast %mul3A_70 : i32 to index
        %get3A_185 = tpu.vector_load %arg18[%get3A_182, %get3A_183, %get3A_184] {strides = array<i32>} : memref<4x4x512xf32, #tpu.memory_space<vmem>>, vector<16xf32>,
        %max3A_186 = arith.maximumf %max3A_179, %get3A_185 : vector<16xf32>
        %swap3A_187 = arith.constant 3 : i32
        %swap3A_188 = arith.index_cast %swap3A_187 : i32 to index
        %swap3A_189 = arith.index_cast %mul3A_70 : i32 to index
        %swap3A_190 = tpu.vector_load %arg17[%swap3A_188, %swap3A_189] {strides = array<i32>} : memref<4x512xf32, #tpu.memory_space<vmem>>, vector<16xf32>,
        tpu.vector_store %arg17[%swap3A_188, %swap3A_189], %max3A_186 {strides = array<i32>} : memref<4x512xf32, #tpu.memory_space<vmem>>, vector<16xf32>,
      }
      %scan3A_67 = arith.constant 32 : i32
      "tpu.region"() ({
        %run_scoped3A = tpu.sem_alloc : memref<!tpu.dma_semaphore, #tpu.memory_space<semaphore_mem>>
        %dma_start3A = arith.constant 0 : i32
        %dma_start3A_68 = arith.constant 0 : i32
        %dma_start3A_69 = tpu.memref_slice %arg7[%add3A, %dma_start3A, %dma_start3A_68] : memref<8x4x512xf32, #tpu.memory_space<hbm>> -> memref<1x4x512xf32, #tpu.memory_space<hbm>>
        %dma_start3A_70 = tpu.memref_squeeze %dma_start3A_69 : memref<1x4x512xf32, #tpu.memory_space<hbm>> -> memref<4x512xf32, #tpu.memory_space<hbm>>
        %dma_start3A_71 = arith.constant 0 : i32
        %dma_start3A_72 = arith.constant 0 : i32
        %dma_start3A_73 = tpu.memref_slice %arg7[%add3A, %dma_start3A_71, %dma_start3A_72] : memref<8x4x512xf32, #tpu.memory_space<hbm>> -> memref<1x4x512xf32, #tpu.memory_space<hbm>>
        %dma_start3A_74 = tpu.memref_squeeze %dma_start3A_73 : memref<1x4x512xf32, #tpu.memory_space<hbm>> -> memref<4x512xf32, #tpu.memory_space<hbm>>
        tpu.enqueue_dma source(%arg17 : memref<4x512xf32, #tpu.memory_space<vmem>>) target(%dma_start3A_74 : memref<4x512xf32, #tpu.memory_space<hbm>>) target_semaphore(%run_scoped3A : memref<!tpu.dma_semaphore, #tpu.memory_space<semaphore_mem>>)
        %dma_wait3A = arith.constant 0 : i32
        %dma_wait3A_75 = arith.constant 0 : i32
        %dma_wait3A_76 = tpu.memref_slice %arg7[%add3A, %dma_wait3A, %dma_wait3A_75] : memref<8x4x512xf32, #tpu.memory_space<hbm>> -> memref<1x4x512xf32, #tpu.memory_space<hbm>>
        %dma_wait3A_77 = tpu.memref_squeeze %dma_wait3A_76 : memref<1x4x512xf32, #tpu.memory_space<hbm>> -> memref<4x512xf32, #tpu.memory_space<hbm>>
        %dma_wait3A_78 = arith.constant 0 : i32
        %dma_wait3A_79 = arith.constant 0 : i32
        %dma_wait3A_80 = tpu.memref_slice %arg7[%add3A, %dma_wait3A_78, %dma_wait3A_79] : memref<8x4x512xf32, #tpu.memory_space<hbm>> -> memref<1x4x512xf32, #tpu.memory_space<hbm>>
        %dma_wait3A_81 = tpu.memref_squeeze %dma_wait3A_80 : memref<1x4x512xf32, #tpu.memory_space<hbm>> -> memref<4x512xf32, #tpu.memory_space<hbm>>
        tpu.wait_dma2 semaphore(%run_scoped3A : memref<!tpu.dma_semaphore, #tpu.memory_space<semaphore_mem>>) src(%arg17 : memref<4x512xf32, #tpu.memory_space<vmem>>) dst(%dma_wait3A_81 : memref<4x512xf32, #tpu.memory_space<hbm>>)
        tpu.yield
      }) : () -> ()
    } else {
    }
    return
  }
}

module attributes {stable_mosaic.version = 14 : i64} {
  func.func @_box_body(%arg0: i32, %arg1: memref<1x4096x4xf32, #tpu.memory_space<vmem>>, %arg2: memref<4096xf32, #tpu.memory_space<vmem>>, %arg3: memref<4096xf32, #tpu.memory_space<vmem>>, %arg4: memref<4096xf32, #tpu.memory_space<vmem>>, %arg5: memref<4096xf32, #tpu.memory_space<vmem>>) attributes {dimension_semantics = [#tpu.dimension_semantics<arbitrary>], iteration_bounds = array<i64: 8>, scalar_prefetch = 0 : i64, scratch_operands = 0 : i64, tpu.core_type = #tpu.core_type<tc>, window_params = [{transform_indices = @transform_0, window_bounds = array<i64: 1, 4096, 4>}, {transform_indices = @transform_1, window_bounds = array<i64: 4096>}, {transform_indices = @transform_2, window_bounds = array<i64: 4096>}, {transform_indices = @transform_3, window_bounds = array<i64: 4096>}, {transform_indices = @transform_4, window_bounds = array<i64: 4096>}]} {
    %get3A = arith.constant 0 : index
    %get3A_0 = arith.constant 0 : index
    %get3A_1 = arith.constant 0 : index
    %get3A_2 = vector.load %arg1[%get3A, %get3A_0, %get3A_1] : memref<1x4096x4xf32, #tpu.memory_space<vmem>>, vector<1x4096x4xf32>
    %get3A_3 = vector.shape_cast %get3A_2 : vector<1x4096x4xf32> to vector<4096x4xf32>
    %transpose3A = tpu.transpose %get3A_3, [1, 0] : vector<4096x4xf32> -> vector<4x4096xf32>
    %slice3A = vector.extract_strided_slice %transpose3A {offsets = [0, 0], sizes = [1, 4096], strides = [1, 1]} : vector<4x4096xf32> to vector<1x4096xf32>
    %squeeze3A = vector.shape_cast %slice3A : vector<1x4096xf32> to vector<4096xf32>
    %swap3A = arith.constant 0 : index
    %swap3A_4 = vector.load %arg2[%swap3A] : memref<4096xf32, #tpu.memory_space<vmem>>, vector<4096xf32>
    tpu.vector_store %arg2[%swap3A], %squeeze3A {strides = array<i32>} : memref<4096xf32, #tpu.memory_space<vmem>>, vector<4096xf32>,
    %slice3A_5 = vector.extract_strided_slice %transpose3A {offsets = [1, 0], sizes = [1, 4096], strides = [1, 1]} : vector<4x4096xf32> to vector<1x4096xf32>
    %squeeze3A_6 = vector.shape_cast %slice3A_5 : vector<1x4096xf32> to vector<4096xf32>
    %swap3A_7 = arith.constant 0 : index
    %swap3A_8 = vector.load %arg3[%swap3A_7] : memref<4096xf32, #tpu.memory_space<vmem>>, vector<4096xf32>
    tpu.vector_store %arg3[%swap3A_7], %squeeze3A_6 {strides = array<i32>} : memref<4096xf32, #tpu.memory_space<vmem>>, vector<4096xf32>,
    %slice3A_9 = vector.extract_strided_slice %transpose3A {offsets = [2, 0], sizes = [1, 4096], strides = [1, 1]} : vector<4x4096xf32> to vector<1x4096xf32>
    %squeeze3A_10 = vector.shape_cast %slice3A_9 : vector<1x4096xf32> to vector<4096xf32>
    %swap3A_11 = arith.constant 0 : index
    %swap3A_12 = vector.load %arg4[%swap3A_11] : memref<4096xf32, #tpu.memory_space<vmem>>, vector<4096xf32>
    tpu.vector_store %arg4[%swap3A_11], %squeeze3A_10 {strides = array<i32>} : memref<4096xf32, #tpu.memory_space<vmem>>, vector<4096xf32>,
    %slice3A_13 = vector.extract_strided_slice %transpose3A {offsets = [3, 0], sizes = [1, 4096], strides = [1, 1]} : vector<4x4096xf32> to vector<1x4096xf32>
    %squeeze3A_14 = vector.shape_cast %slice3A_13 : vector<1x4096xf32> to vector<4096xf32>
    %swap3A_15 = arith.constant 0 : index
    %swap3A_16 = vector.load %arg5[%swap3A_15] : memref<4096xf32, #tpu.memory_space<vmem>>, vector<4096xf32>
    tpu.vector_store %arg5[%swap3A_15], %squeeze3A_14 {strides = array<i32>} : memref<4096xf32, #tpu.memory_space<vmem>>, vector<4096xf32>,
    return
  }
  func.func @transform_0(%arg0: i32) -> (i32, i32, i32) {
    %c0_i32 = arith.constant 0 : i32
    %c0_i32_0 = arith.constant 0 : i32
    %c0_i32_1 = arith.constant 0 : i32
    return %arg0, %c0_i32, %c0_i32_0 : i32, i32, i32
  }
  func.func @transform_1(%arg0: i32) -> i32 {
    %c0_i32 = arith.constant 0 : i32
    return %arg0 : i32
  }
  func.func @transform_2(%arg0: i32) -> i32 {
    %c0_i32 = arith.constant 0 : i32
    return %arg0 : i32
  }
  func.func @transform_3(%arg0: i32) -> i32 {
    %c0_i32 = arith.constant 0 : i32
    return %arg0 : i32
  }
  func.func @transform_4(%arg0: i32) -> i32 {
    %c0_i32 = arith.constant 0 : i32
    return %arg0 : i32
  }
}

module attributes {stable_mosaic.version = 14 : i64} {
  func.func @_tc_body(%arg0: i32, %arg1: memref<4096x512xf32, #tpu.memory_space<vmem>>, %arg2: memref<4096x64xf32, #tpu.memory_space<vmem>>, %arg3: memref<4096xi32, #tpu.memory_space<vmem>>, %arg4: memref<4096xi32, #tpu.memory_space<vmem>>) attributes {dimension_semantics = [#tpu.dimension_semantics<arbitrary>], iteration_bounds = array<i64: 8>, scalar_prefetch = 0 : i64, scratch_operands = 0 : i64, tpu.core_type = #tpu.core_type<tc>, window_params = [{transform_indices = @transform_0, window_bounds = array<i64: 4096, 512>}, {transform_indices = @transform_1, window_bounds = array<i64: 4096, 64>}, {transform_indices = @transform_2, window_bounds = array<i64: 4096>}, {transform_indices = @transform_3, window_bounds = array<i64: 4096>}]} {
    %get3A = arith.constant 0 : index
    %get3A_0 = arith.constant 0 : index
    %get3A_1 = vector.load %arg1[%get3A, %get3A_0] : memref<4096x512xf32, #tpu.memory_space<vmem>>, vector<4096x512xf32>
    %iota3A = tpu.iota {dimensions = array<i32: 1>} : vector<4096x512xi32>
    %reduce_max3A = arith.constant dense<0xFF800000> : vector<4096xf32>
    %reduce_max3A_2 = vector.multi_reduction <maximumf>, %get3A_1, %reduce_max3A [1] : vector<4096x512xf32> to vector<4096xf32>
    %broadcast_in_dim3A = vector.shape_cast %reduce_max3A_2 : vector<4096xf32> to vector<4096x1xf32>
    %eq3A = vector.broadcast %broadcast_in_dim3A : vector<4096x1xf32> to vector<4096x512xf32>
    %eq3A_3 = arith.cmpf oeq, %get3A_1, %eq3A : vector<4096x512xf32>
    %jit3A = arith.constant 512 : i32
    %broadcast_in_dim3A_4 = vector.broadcast %jit3A : i32 to vector<4096x512xi32>
    %select_n3A = arith.select %eq3A_3, %iota3A, %broadcast_in_dim3A_4 : vector<4096x512xi1>, vector<4096x512xi32>
    %reduce_min3A = arith.constant dense<2147483647> : vector<4096xi32>
    %reduce_min3A_5 = vector.multi_reduction <minsi>, %select_n3A, %reduce_min3A [1] : vector<4096x512xi32> to vector<4096xi32>
    %swap3A = arith.constant 0 : index
    %swap3A_6 = vector.load %arg3[%swap3A] : memref<4096xi32, #tpu.memory_space<vmem>>, vector<4096xi32>
    tpu.vector_store %arg3[%swap3A], %reduce_min3A_5 {strides = array<i32>} : memref<4096xi32, #tpu.memory_space<vmem>>, vector<4096xi32>,
    %get3A_7 = arith.constant 0 : index
    %get3A_8 = arith.constant 0 : index
    %get3A_9 = vector.load %arg2[%get3A_7, %get3A_8] : memref<4096x64xf32, #tpu.memory_space<vmem>>, vector<4096x64xf32>
    %transpose3A = tpu.transpose %get3A_9, [1, 0] : vector<4096x64xf32> -> vector<64x4096xf32>
    %iota3A_10 = tpu.iota {dimensions = array<i32: 0>} : vector<64x4096xi32>
    %reduce_max3A_11 = arith.constant dense<0xFF800000> : vector<4096xf32>
    %reduce_max3A_12 = vector.multi_reduction <maximumf>, %transpose3A, %reduce_max3A_11 [0] : vector<64x4096xf32> to vector<4096xf32>
    %broadcast_in_dim3A_13 = vector.shape_cast %reduce_max3A_12 : vector<4096xf32> to vector<1x4096xf32>
    %eq3A_14 = vector.broadcast %broadcast_in_dim3A_13 : vector<1x4096xf32> to vector<64x4096xf32>
    %eq3A_15 = arith.cmpf oeq, %transpose3A, %eq3A_14 : vector<64x4096xf32>
    %jit3A_16 = arith.constant 64 : i32
    %broadcast_in_dim3A_17 = vector.broadcast %jit3A_16 : i32 to vector<64x4096xi32>
    %select_n3A_18 = arith.select %eq3A_15, %iota3A_10, %broadcast_in_dim3A_17 : vector<64x4096xi1>, vector<64x4096xi32>
    %reduce_min3A_19 = arith.constant dense<2147483647> : vector<4096xi32>
    %reduce_min3A_20 = vector.multi_reduction <minsi>, %select_n3A_18, %reduce_min3A_19 [0] : vector<64x4096xi32> to vector<4096xi32>
    %swap3A_21 = arith.constant 0 : index
    %swap3A_22 = vector.load %arg4[%swap3A_21] : memref<4096xi32, #tpu.memory_space<vmem>>, vector<4096xi32>
    tpu.vector_store %arg4[%swap3A_21], %reduce_min3A_20 {strides = array<i32>} : memref<4096xi32, #tpu.memory_space<vmem>>, vector<4096xi32>,
    return
  }
  func.func @transform_0(%arg0: i32) -> (i32, i32) {
    %c0_i32 = arith.constant 0 : i32
    %c0_i32_0 = arith.constant 0 : i32
    return %arg0, %c0_i32 : i32, i32
  }
  func.func @transform_1(%arg0: i32) -> (i32, i32) {
    %c0_i32 = arith.constant 0 : i32
    %c0_i32_0 = arith.constant 0 : i32
    return %arg0, %c0_i32 : i32, i32
  }
  func.func @transform_2(%arg0: i32) -> i32 {
    %c0_i32 = arith.constant 0 : i32
    return %arg0 : i32
  }
  func.func @transform_3(%arg0: i32) -> i32 {
    %c0_i32 = arith.constant 0 : i32
    return %arg0 : i32
  }
}

</mosaic_0001>

<sc_bundles>
// kernel: kernel.5.cloned.1.call-start
scs
__scs_entry_jumppad:
0x0: {  	(pc) =	sbr.rel $0x88, $3  }
0x1: {  	(tag) =	ssettag $0x0;
	lr =	simm.s32 $0x1  }
0x2: {  	[smem:$0x3F9E] =	sst lr;
	_ =	strace $0xD0000000  }
0x3: {  	_ = 	snop  }
0x4: {  	_ = 	snop  }
0x5: {  	_ = 	snop  }
0x6: {  	_ = 	snop  }
0x7: {  	_ = 	snop  }
__scs_overlays_trampoline_lowered:
0x8: {  	[smem:$0x3FAD] =	sst s0  }
0x9: {  	[smem:$0x3FAE] =	sst s1  }
0xa: {  	[smem:$0x3FAF] =	sst s2  }
0xb: {  	[smem:$0x3FB0] =	sst s3  }
0xc: {  	[smem:$0x3FB1] =	sst s4  }
0xd: {  	[smem:$0x3FB2] =	sst s5  }
0xe: {  	[smem:$0x3FB3] =	sst s6  }
0xf: {  	[smem:$0x3FB4] =	sst s7  }
0x10: {  	[smem:$0x3FB5] =	sst s8  }
0x11: {  	[smem:$0x3FB6] =	sst s9;
	s0 =	simm.s32 @!p0 $0x0  }
0x12: {  	s1 =	sld [smem:$0x3F9C];
	s0 =	simm.s32 @p0 $0x1  }
0x13: {  	[smem:$0x3FB7] =	sst s0;
	s0 =	simm.s32 @!p1 $0x0  }
0x14: {  	s2 =	sld [smem:$0x3F9B];
	s0 =	simm.s32 @p1 $0x1  }
0x15: {  	[smem:$0x3FB8] =	sst s0;
	s0 =	simm.s32 @!p2 $0x0  }
0x16: {  	s3 =	sld [smem:$0x3FDB];
	s0 =	simm.s32 @p2 $0x1  }
0x17: {  	s4 =	simm.s32 $0x1BF5;
	[smem:$0x3FBA] =	sst s0  }
0x18: {  	s0 =	sld [smem:$0x3F9D];
	_ =	swait.ge [sflag:s4], $0x0  }
0x19: {  	s7 =	sld [smem:$0x3F9E]  }
0x1a: {  	s8 =	sadd.s32 $0xFFFFE003, lr  }
0x1b: {  	s9 =	sadd.s32 $0xFFFFFEF7, lr;
	s5 =	simm.s32 $0xFFFFFFFF;
	p2 =	slt.u32 s8, $0xFFFFF086  }
0x1c: {  	p1 =	slt.u32 s9, $0xF7A;
	s5 =	simm.s32 @!p2 $0x0  }
0x1d: {  	s5 =	simm.s32 @p1 $0x1;
	p0 =	seq.s32 s7, s2  }
0x1e: {  	s7 =	smul.u32 @!p0 $0xF7A, s2;
	p2 =	seq.s32 @!p0 s5, $0x0  }
0x1f: {  	s9 =	smul.u32 $0xF7A, s1;
	s8 =	simm.s32 @!p0 $0x1BF5;
	p2 =	por !p2, p0  }
0x20: {  	[sflag:s8] =	ssyncset.s32 @!p0 $0xFFFFF086;
	s6 =	sadd.s32 @!p0 s3, s7;
	s7 =	simm.s32 @!p0 $0x108  }
0x21: {  	s3 =	sadd.s32 s3, s9;
	s6 =	sadd.s32 @!p0 $0x88, s6;
	s7 =	simm.s32 @p2 $0x1082  }
0x22: {  	[simem:s7], [sflag:s8] =	dma.local @!p0 [hbm:s6], $0xF7A  }
0x23: {  	s9 =	sor.u32 $0xD0000000, s2;
	s6 =	simm.s32 $0x108;
	_ =	swait.ge @!p0 [sflag:s8], $0x0  }
0x24: {  	s3 =	sadd.s32 $0x88, s3;
	s6 =	simm.s32 @!p1 $0x1082;
	[sflag:s4] =	ssyncset.s32 $0xFFFFF086  }
0x25: {  	[simem:s6], [sflag:s4] =	dma.local [hbm:s3], $0xF7A  }
0x26: {  	[smem:$0x3F9E] =	sst s1;
	(tag) =	ssettag s2;
	_ =	strace s9  }
0x27: {  	s1 =	sld [smem:$0x3FAE]  }
0x28: {  	s2 =	sld [smem:$0x3FAF]  }
0x29: {  	s4 =	sld [smem:$0x3FB1]  }
0x2a: {  	p0 =	seq.s32 s5, $0x0;
	s5 =	sld [smem:$0x3FB2]  }
0x2b: {  	s6 =	sld [smem:$0x3FB3]  }
0x2c: {  	s7 =	sld [smem:$0x3FB4]  }
0x2d: {  	s3 =	simm.s32 $0x108;
	s8 =	sld [smem:$0x3FB5]  }
0x2e: {  	s3 =	simm.s32 @!p0 $0x1082;
	s9 =	sld [smem:$0x3FB6]  }
0x2f: {  	lr =	sadd.s32 s0, s3;
	s0 =	sld [smem:$0x3FAD]  }
0x30: {  	s3 =	sld [smem:$0x3FB0]  }
0x31: {  	[smem:$0x3FB9] =	sst s10  }
0x32: {  	s10 =	sld [smem:$0x3FB7];
	_ =	sdelay $0x3  }
0x33: {  	p0 =	seq.s32 s10, $0x1;
	s10 =	sld [smem:$0x3FB9];
	_ =	sdelay $0x3  }
0x34: {  	[smem:$0x3FB9] =	sst s10  }
0x35: {  	s10 =	sld [smem:$0x3FB8];
	_ =	sdelay $0x3  }
0x36: {  	p1 =	seq.s32 s10, $0x1;
	s10 =	sld [smem:$0x3FB9];
	_ =	sdelay $0x3  }
0x37: {  	[smem:$0x3FB9] =	sst s10  }
0x38: {  	s10 =	sld [smem:$0x3FBA]  }
0x39: {  	_ = 	snop;
	(pc) =	sbr.ind lr, $3  }
0x3a: {  	_ = 	snop  }
0x3b: {  	_ = 	snop  }
0x3c: {  	p2 =	seq.s32 s10, $0x1;
	s10 =	sld [smem:$0x3FB9]  }
0x3d: {  	_ =	shalt  }
0x3e: {  	_ =	shalt  }
0x3f: {  	_ =	shalt  }
0x40: {  	_ =	shalt  }
0x41: {  	_ =	shalt  }
0x42: {  	_ =	shalt  }
0x43: {  	_ =	shalt  }
0x44: {  	_ =	shalt  }
0x45: {  	_ =	shalt  }
0x46: {  	_ =	shalt  }
0x47: {  	_ =	shalt  }
0x48: {  	_ =	shalt  }
0x49: {  	_ =	shalt  }
0x4a: {  	_ =	shalt  }
0x4b: {  	_ =	shalt  }
0x4c: {  	_ =	shalt  }
0x4d: {  	_ =	shalt  }
0x4e: {  	_ =	shalt  }
0x4f: {  	_ =	shalt  }
0x50: {  	_ =	shalt  }
0x51: {  	_ =	shalt  }
0x52: {  	_ =	shalt  }
0x53: {  	_ =	shalt  }
0x54: {  	_ =	shalt  }
0x55: {  	_ =	shalt  }
0x56: {  	_ =	shalt  }
0x57: {  	_ =	shalt  }
0x58: {  	_ =	shalt  }
0x59: {  	_ =	shalt  }
0x5a: {  	_ =	shalt  }
0x5b: {  	_ =	shalt  }
0x5c: {  	_ =	shalt  }
0x5d: {  	_ =	shalt  }
0x5e: {  	_ =	shalt  }
0x5f: {  	_ =	shalt  }
0x60: {  	_ =	shalt  }
0x61: {  	_ =	shalt  }
0x62: {  	_ =	shalt  }
0x63: {  	_ =	shalt  }
0x64: {  	_ =	shalt  }
0x65: {  	_ =	shalt  }
0x66: {  	_ =	shalt  }
0x67: {  	_ =	shalt  }
0x68: {  	_ =	shalt  }
0x69: {  	_ =	shalt  }
0x6a: {  	_ =	shalt  }
0x6b: {  	_ =	shalt  }
0x6c: {  	_ =	shalt  }
0x6d: {  	_ =	shalt  }
0x6e: {  	_ =	shalt  }
0x6f: {  	_ =	shalt  }
0x70: {  	_ =	shalt  }
0x71: {  	_ =	shalt  }
0x72: {  	_ =	shalt  }
0x73: {  	_ =	shalt  }
0x74: {  	_ =	shalt  }
0x75: {  	_ =	shalt  }
0x76: {  	_ =	shalt  }
0x77: {  	_ =	shalt  }
0x78: {  	_ =	shalt  }
0x79: {  	_ =	shalt  }
0x7a: {  	_ =	shalt  }
0x7b: {  	_ =	shalt  }
0x7c: {  	_ =	shalt  }
0x7d: {  	_ =	shalt  }
0x7e: {  	_ =	shalt  }
0x7f: {  	_ =	shalt  }
0x80: {  	_ =	shalt  }
0x81: {  	_ =	shalt  }
0x82: {  	_ =	shalt  }
0x83: {  	_ =	shalt  }
0x84: {  	_ =	shalt  }
0x85: {  	_ =	shalt  }
0x86: {  	_ =	shalt  }
0x87: {  	_ =	shalt  }
.Lfunc_end0:
.L_simem_size_0:
called_computation_lowered:
.L_overlay_start_0:
0x88: {  	s2 =	sld [smem:$0x3FD9]  }
0x89: {  	s3 =	sld [smem:$0x3FFE];
	_ =	sdelay $0x1  }
0x8a: {  	s1 =	srdreg.scid  }
0x8b: {  	s0 =	sand.u32 $0x1, s1  }
0x8c: {  	s14 =	sshll.u32 s0, $0xA;
	s2 =	sadd.s32 s3, s2  }
0x8d: {  	s2 =	sadd.s32 s2, s14  }
0x8e: {  	[smem:$0x3FC5] =	sst s2  }
0x8f: {  	_ = 	snop  }
0x90: {  	s2 =	sld [smem:$0x3FD0];
	_ =	sdelay $0x2  }
0x91: {  	s15 =	simm.s32 $0xA;
	s4 =	simm.s32 $0x10  }
0x92: {  	[smem:s4], [sflag:s15] =	dma.local [hbm:s2], $0x1  }
0x93: {  	_ =	swait.eq [sflag:s15], $0x1  }
0x94: {  	[sflag:s15] =	ssyncset.done $0x0  }
0x95: {  	s16 =	sld [smem:$0x12];
	[sflag:s15] =	ssyncadd.s32 $0xFFFFFFFF  }
0x96: {  	s17 =	sld [smem:$0x14];
	(tm) =	ssettm $0x1  }
0x97: {  	s18 =	sld [smem:$0x3FFB];
	_ =	sdelay $0x3  }
0x98: {  	_ =	strace s18  }
0x99: {  	s4 =	sld [smem:$0x3FFC];
	_ =	sdelay $0x3  }
0x9a: {  	_ =	strace s4  }
0x9b: {  	s4 =	sld [smem:$0x3FFD];
	_ =	sdelay $0x3  }
0x9c: {  	_ =	strace s4  }
0x9d: {  	_ =	strace $0x8FFFFFFF  }
0x9e: {  	s19 =	sld [smem:$0x3FDB];
	_ =	sdelay $0x1  }
0x9f: {  	s5 =	simm.s32 $_scs_section_size  }
0xa0: {  	s6 =	simm.s32 $_size__tile_overlayer_lowered;
	s7 =	simm.s32 $_tile_overlayer_lowered  }
0xa1: {  	s22 =	simm.s32 $0x1BFF;
	s21 =	sshll.u32 s7, $0x1;
	s4 =	sadd.s32 s5, s19  }
0xa2: {  	s8 =	simm.s32 $0x0;
	s20 =	sshll.u32 s6, $0x1;
	s6 =	sadd.s32 s21, s4  }
0xa3: {  	[timem:s8], [sflag:s22] =	dma.local [hbm:s6], s20  }
0xa4: {  	_ =	swait.ge [sflag:s22], s20  }
0xa5: {  	s5 =	ssub.s32 $0x0, s20;
	[sflag:s22] =	ssyncset.done $0x0  }
0xa6: {  	[sflag:s22] =	ssyncadd.s32 s5;
	_ =	sdelay $0x1  }
0xa7: {  	s23 =	simm.s32 $0x1B8B  }
0xa8: {  	_ =	swait.ge [sflag:s23], $0x1  }
0xa9: {  	[sflag:s23] =	ssyncset.done $0x0  }
0xaa: {  	s25 =	simm.s32 $0x1B8E;
	s24 =	sld [smem:$0x3FFE];
	[sflag:s23] =	ssyncadd.s32 $0xFFFFFFFF  }
0xab: {  	s26 =	simm.s32 $execute0_lowered;
	[smem:$0x3FD2] =	sst s25  }
0xac: {  	s6 =	sshll.u32 s26, $0x1;
	_ =	strace $0x80000046;
	[dreg:$0x1] =	wrdreg $0xFFFFFFFF  }
0xad: {  	s28 =	simm.s32 $_size_execute0_lowered;
	s4 =	sadd.s32 s4, s6;
	[dreg:$0x0] =	wrdreg $0x0  }
0xae: {  	s6 =	sshll.u32 s28, $0x1;
	[dreg:$0x2] =	wrdreg s4  }
0xaf: {  	[dreg:$0x3] =	wrdreg s6  }
0xb0: {  	[dreg:$0x4] =	wrdreg $0xC0  }
0xb1: {  	_ =	task [dreg:s8], $0x5FFFF  }
0xb2: {  	[dreg:$0x1] =	wrdreg $0xFFFFFFFF  }
0xb3: {  	[dreg:$0x0] =	wrdreg $0x60  }
0xb4: {  	[dreg:$0x2] =	wrdreg s16  }
0xb5: {  	[dreg:$0x3] =	wrdreg s24  }
0xb6: {  	[dreg:$0x4] =	wrdreg s17  }
0xb7: {  	[dreg:$0x5] =	wrdreg $0xBC000  }
0xb8: {  	[dreg:$0x6] =	wrdreg $0x9  }
0xb9: {  	_ =	task.clear_ibuf [dreg:s8], $0x7FFFF;
	_ =	strace $0x90000046  }
0xba: {  	s29 =	simm.s32 $0x9;
	_ =	strace $0x80000048  }
0xbb: {  	_ =	swait.ge [sflag:s29], $0x1  }
0xbc: {  	[sflag:s29] =	ssyncadd.s32 $0xFFFFFFFF  }
0xbd: {  	_ =	strace $0x90000048  }
0xbe: {  	_ =	sfence  }
0xbf: {  	s30 =	sld [smem:$0x0];
	_ =	sdelay $0x2  }
0xc0: {  	s31 =	sshll.u32 s1, $0xD;
	s1 =	sshrl.u32 s1, $0x2  }
0xc1: {  	s3 =	sand.u32 $0x4000, s31;
	s1 =	sadd.s32 s1, s30  }
0xc2: {  	s0 =	sor.u32 s3, s0;
	s1 =	sshll.u32 s1, $0x11  }
0xc3: {  	s0 =	sor.u32 s1, s0  }
0xc4: {  	s0 =	sadd.s32 $0x8F2B, s0  }
0xc5: {  	[sflag:s0] =	ssyncadd.remote.s32 $0x1  }
0xc6: {  	_ =	sfence.sel $0xFFFF  }
0xc7: {  	[dreg:$0x0] =	wrdreg $0xFFFFFFFF;
	(pc) =	sbr.abs _section_cstart, $3  }
0xc8: {  	[dreg:$0x1] =	wrdreg $0xFFFFFFFF  }
0xc9: {  	_ =	task.clear_ibuf [dreg:s8], $0x2FFFF;
	_ =	strace $0x9FFFFFFF  }
0xca: {  	(tm) =	ssettm $0x7FFFFFFF  }
0xcb: {  	_ =	shalt  }
tec
execute0_lowered:
.L_overlay_start_1:
0x0: {  	(tag) =	ssettag $0x1  }
0x1: {  	s3 =	rddreg [dreg:$0x0]  }
0x2: {  	s4 =	rddreg [dreg:$0x1]  }
0x3: {  	s1 =	srdreg.scid;
	s9 =	rddreg [dreg:$0x2]  }
0x4: {  	s0 =	stileid.u32;
	s8 =	rddreg [dreg:$0x3];
	s13 =	simm.s32 $0x800  }
0x5: {  	s14 =	simm.s32 $0xC00;
	s15 =	simm.s32 $0x1000;
	s16 =	simm.s32 $0x1400  }
0x6: {  	s17 =	simm.s32 $0x3400;
	s18 =	simm.s32 $0x5400;
	s19 =	simm.s32 $0x7400  }
0x7: {  	s21 =	simm.s32 $0x9C00;
	s22 =	simm.s32 $0x0;
	s5 =	sand.u32 $0x1, s1  }
0x8: {  	s6 =	sshrl.u32 s0, $0x2;
	s1 =	rddreg [dreg:$0x4];
	s20 =	sand.u32 $0x3, s0  }
0x9: {  	s12 =	sshll.u32 s0, $0xB;
	s2 =	sshll.u32 s5, $0x2;
	s7 =	sshll.u32 s20, $0x7  }
0xa: {  	s5 =	ssub.s32 $0x2, s5;
	s8 =	sadd.s32 s12, s8;
	s12 =	simm.s32 $0x400  }
0xb: {  	p0 =	sne.s32 s20, $0x0;
	s20 =	simm.s32 $0x9400;
	s10 =	sor.u32 s6, s2  }
0xc: {  	s2 =	simm.s32 $0x0;
	s31 =	sshrl.u32 s5, $0x1;
	s6 =	sshll.u32 s10, $0x9  }
.Ltmp0:
0xd: {  	[smem:$0x7FF] =	sst s2;
	s11 =	ssub.s32 s5, s31;
	(pc) =	sbr.rel .LBB2_1-.Ltmp0, $4  }
0xe: {  	s10 =	sshll.u32 s10, $0x8;
	s6 =	sor.u32 s7, s6;
	_ =	strace $0x80000047  }
0xf: {  	s9 =	sadd.s32 s9, s10;
	s10 =	smax.u32 s11, $0x1;
	s7 =	sadd.s32 s6, s4  }
0x10: {  	v2 =	vlaneseq.u32;
	s11 =	simm.s32 $0x1;
	s3 =	sadd.s32 s3, s6;
	s4 =	sadd.s32 $0x4C00, s7  }
0x11: {  	v0 =	vimm.f32 $1.000000000e+00;
	v1 =	vimm.f32 $0.0e+00;
	v2 =	vmul.u32 $0x200, v2;
	s5 =	sadd.s32 $0x1C00, s7;
	s6 =	sadd.s32 $0x2C00, s7;
	s7 =	sadd.s32 $0x3C00, s7  }
.LBB2_10:
0x12: {  	v11 =	vld [tilespmem:s24+$0x9D00]  }
0x13: {  	v12 =	vld [tilespmem:s24+$0xA500]  }
0x14: {  	v13 =	vld [tilespmem:s24+$0xAD00]  }
0x15: {  	v14 =	vld [tilespmem:s24+$0xB500]  }
0x16: {  	v7 =	vmin.f32 v9, v7  }
0x17: {  	v58 =	vmin.f32 v8, v10;
	v6 =	vmin.f32 v7, v6  }
0x18: {  	v5 =	vmin.f32 v58, v5;
	v4 =	vmin.f32 v6, v4;
	v59 =	vmax.f32 v11, v12  }
0x19: {  	v3 =	vmin.f32 v5, v3;
	[tilespmem:s24+$0x9400] =	vst v4;
	v60 =	vmax.f32 v59, v13  }
0x1a: {  	s23 =	sor.u32 s25, s23;
	[tilespmem:s24+$0x9480] =	vst v3;
	v3 =	vmax.f32 v60, v14  }
0x1b: {  	s23 =	sor.u32 $0x180, s23;
	[tilespmem:s24+$0x9500] =	vst v3;
	v3 =	vld [tilespmem:s24+$0xA580]  }
0x1c: {  	v61 =	vld [tilespmem:s23+$0x9C00]  }
0x1d: {  	v62 =	vld [tilespmem:s24+$0xAD80]  }
0x1e: {  	v63 =	vld [tilespmem:s24+$0xB580];
	_ =	sdelay $0x2  }
0x1f: {  	v3 =	vmax.f32 v61, v3  }
0x20: {  	v3 =	vmax.f32 v3, v62  }
0x21: {  	v3 =	vmax.f32 v3, v63  }
0x22: {  	[tilespmem:s23+$0x9400] =	vst v3  }
0x23: {  	[hbm4b:s9+s2] =	stream.linear.scatter [tilespmem:s20], [sflag:$0x1], $0x800, $0x38;
	[tilespmem:$0xC400] =	vst v63  }
0x24: {  	_ =	swait.ge [sflag:s11], $0x800  }
0x25: {  	[sflag:s11] =	ssyncset.done $0x0  }
0x26: {  	[sflag:s11] =	ssyncadd.s32 $0xFFFFF800  }
.LBB2_11:
0x27: {  	s22 =	sadd.s32 $0x1, s22  }
0x28: {  	p1 =	sne.s32 s22, s10  }
.Ltmp1:
0x29: {  	_ = 	snop;
	(pc) =	sbr.rel @!p1 .LBB2_12-.Ltmp1, $1  }
0x2a: {  	_ =	sdelay $0x3  }
.LBB2_1:
0x2b: {  	[tilespmem:s2], [sflag:$0x1] =	stream.linear.gather [hbm4b:s3+s2], $0x400, $0x38;
	[tilespmem:$0xC400] =	vst v63  }
0x2c: {  	_ =	swait.ge [sflag:s11], $0x400  }
0x2d: {  	[sflag:s11] =	ssyncset.done $0x0  }
0x2e: {  	[sflag:s11] =	ssyncadd.s32 $0xFFFFFC00  }
0x2f: {  	[tilespmem:s12], [sflag:$0x1] =	stream.linear.gather [hbm4b:s4+s2], $0x400, $0x38;
	[tilespmem:$0xC400] =	vst v63  }
0x30: {  	_ =	swait.ge [sflag:s11], $0x400  }
0x31: {  	[sflag:s11] =	ssyncset.done $0x0  }
0x32: {  	[sflag:s11] =	ssyncadd.s32 $0xFFFFFC00  }
0x33: {  	[tilespmem:s13], [sflag:$0x1] =	stream.linear.gather [hbm4b:s5+s2], $0x400, $0x38;
	[tilespmem:$0xC400] =	vst v63  }
0x34: {  	_ =	swait.ge [sflag:s11], $0x400  }
0x35: {  	[sflag:s11] =	ssyncset.done $0x0  }
0x36: {  	[sflag:s11] =	ssyncadd.s32 $0xFFFFFC00  }
0x37: {  	[tilespmem:s14], [sflag:$0x1] =	stream.linear.gather [hbm4b:s6+s2], $0x400, $0x38;
	[tilespmem:$0xC400] =	vst v63  }
0x38: {  	_ =	swait.ge [sflag:s11], $0x400  }
0x39: {  	[sflag:s11] =	ssyncset.done $0x0  }
0x3a: {  	[sflag:s11] =	ssyncadd.s32 $0xFFFFFC00  }
0x3b: {  	[tilespmem:s15], [sflag:$0x1] =	stream.linear.gather [hbm4b:s7+s2], $0x400, $0x38;
	[tilespmem:$0xC400] =	vst v63  }
0x3c: {  	_ =	swait.ge [sflag:s11], $0x400  }
0x3d: {  	[sflag:s11] =	ssyncset.done $0x0  }
0x3e: {  	s24 =	simm.s32 $0x40;
	s23 =	simm.s32 $0x0;
	[sflag:s11] =	ssyncadd.s32 $0xFFFFFC00  }
.LBB2_2:
0x3f: {  	p1 =	sne.s32 s24, $0x7FC0;
	[tilespmem:s23+$0x7400] =	vst v1;
	s25 =	smov.u32 s24;
	s24 =	sadd.s32 $0x40, s24  }
.Ltmp2:
0x40: {  	[tilespmem:s23+$0x5400] =	vst v1;
	(pc) =	sbr.rel @p1 .LBB2_2-.Ltmp2, $3  }
0x41: {  	[tilespmem:s23+$0x1400] =	vst v0  }
0x42: {  	[tilespmem:s23+$0x3400] =	vst v0;
	_ =	sdelay $0x1  }
0x43: {  	s23 =	sshra.s32 s25, $0x2  }
0x44: {  	[tilespmem:s23+$0x7400] =	vst v1  }
0x45: {  	[tilespmem:s23+$0x5400] =	vst v1  }
0x46: {  	[tilespmem:s23+$0x1400] =	vst v0  }
0x47: {  	[tilespmem:s23+$0x3400] =	vst v0;
	s31 =	simm.s32 $0x0  }
0x48: {  	v3 =	vld [tilespmem:s31+$0x0];
	_ =	sdelay $0x4  }
0x49: {  	v3 =	vadd.s32 v2, v3;
	_ =	sdelay $0x3  }
0x4a: {  	v5 =	vld [tilespmem:s31+$0x400]  }
0x4b: {  	v4 =	vld.idx.msk [tilespmem:v3+s16+$0x0], $0xffff;
	_ =	sdelay $0x4  }
0x4c: {  	v4 =	vmin.f32 v4, v5  }
0x4d: {  	[tilespmem:v3+s16+$0x0] =	vst.idx.msk $0xffff, v4  }
0x4e: {  	v4 =	vld.idx.msk [tilespmem:v3+s17+$0x0], $0xffff  }
0x4f: {  	v5 =	vld [tilespmem:s31+$0x800];
	_ =	sdelay $0x4  }
0x50: {  	v4 =	vmin.f32 v4, v5  }
0x51: {  	[tilespmem:v3+s17+$0x0] =	vst.idx.msk $0xffff, v4  }
0x52: {  	v4 =	vld.idx.msk [tilespmem:v3+s18+$0x0], $0xffff  }
0x53: {  	v5 =	vld [tilespmem:s31+$0xC00];
	_ =	sdelay $0x4  }
0x54: {  	v4 =	vmax.f32 v4, v5  }
0x55: {  	[tilespmem:v3+s18+$0x0] =	vst.idx.msk $0xffff, v4  }
0x56: {  	v4 =	vld.idx.msk [tilespmem:v3+s19+$0x0], $0xffff  }
0x57: {  	v5 =	vld [tilespmem:s31+$0x1000];
	_ =	sdelay $0x4  }
0x58: {  	s23 =	simm.s32 $0x0;
	s24 =	simm.s32 $0x40;
	s25 =	simm.s32 $0x80;
	v4 =	vmax.f32 v4, v5  }
.LBB2_4:
0x59: {  	p1 =	sne.s32 s25, $0xFC0  }
0x5a: {  	s26 =	sshra.s32 s24, $0x2;
	[tilespmem:v3+s19+$0x0] =	vst.idx.msk $0xffff, v4;
	s24 =	smov.u32 s25;
	s25 =	sadd.s32 $0x40, s25  }
0x5b: {  	v3 =	vld [tilespmem:s26+$0x0];
	_ =	sdelay $0x4  }
0x5c: {  	v3 =	vadd.s32 v2, v3;
	_ =	sdelay $0x4  }
0x5d: {  	v4 =	vld.idx.msk [tilespmem:v3+s16+$0x0], $0xffff  }
0x5e: {  	v5 =	vld [tilespmem:s26+$0x400];
	_ =	sdelay $0x4  }
0x5f: {  	v4 =	vmin.f32 v4, v5  }
0x60: {  	[tilespmem:v3+s16+$0x0] =	vst.idx.msk $0xffff, v4  }
0x61: {  	v4 =	vld.idx.msk [tilespmem:v3+s17+$0x0], $0xffff  }
0x62: {  	v5 =	vld [tilespmem:s26+$0x800];
	_ =	sdelay $0x4  }
0x63: {  	v4 =	vmin.f32 v4, v5  }
0x64: {  	[tilespmem:v3+s17+$0x0] =	vst.idx.msk $0xffff, v4  }
0x65: {  	v4 =	vld.idx.msk [tilespmem:v3+s18+$0x0], $0xffff  }
0x66: {  	v5 =	vld [tilespmem:s26+$0xC00];
	_ =	sdelay $0x4  }
0x67: {  	v4 =	vmax.f32 v4, v5  }
0x68: {  	[tilespmem:v3+s18+$0x0] =	vst.idx.msk $0xffff, v4  }
0x69: {  	v4 =	vld.idx.msk [tilespmem:v3+s19+$0x0], $0xffff  }
0x6a: {  	v5 =	vld [tilespmem:s26+$0x1000]  }
.Ltmp3:
0x6b: {  	(pc) =	sbr.rel @p1 .LBB2_4-.Ltmp3, $2  }
0x6c: {  	_ =	sdelay $0x2  }
0x6d: {  	v4 =	vmax.f32 v4, v5  }
0x6e: {  	_ =	sdelay $0x3  }
0x6f: {  	s24 =	sshra.s32 s24, $0x2;
	[tilespmem:v3+s19+$0x0] =	vst.idx.msk $0xffff, v4  }
0x70: {  	v3 =	vld [tilespmem:s24+$0x0];
	_ =	sdelay $0x4  }
0x71: {  	v3 =	vadd.s32 v2, v3;
	_ =	sdelay $0x3  }
0x72: {  	v5 =	vld [tilespmem:s24+$0x400]  }
0x73: {  	v4 =	vld.idx.msk [tilespmem:v3+s16+$0x0], $0xffff;
	_ =	sdelay $0x4  }
0x74: {  	v4 =	vmin.f32 v4, v5  }
0x75: {  	[tilespmem:v3+s16+$0x0] =	vst.idx.msk $0xffff, v4  }
0x76: {  	v4 =	vld.idx.msk [tilespmem:v3+s17+$0x0], $0xffff  }
0x77: {  	v61 =	vld [tilespmem:s24+$0x800];
	_ =	sdelay $0x4  }
0x78: {  	v4 =	vmin.f32 v4, v61  }
0x79: {  	[tilespmem:v3+s17+$0x0] =	vst.idx.msk $0xffff, v4  }
0x7a: {  	v4 =	vld.idx.msk [tilespmem:v3+s18+$0x0], $0xffff  }
0x7b: {  	v62 =	vld [tilespmem:s24+$0xC00];
	_ =	sdelay $0x4  }
0x7c: {  	v4 =	vmax.f32 v4, v62  }
0x7d: {  	[tilespmem:v3+s18+$0x0] =	vst.idx.msk $0xffff, v4  }
0x7e: {  	v4 =	vld.idx.msk [tilespmem:v3+s19+$0x0], $0xffff  }
0x7f: {  	v63 =	vld [tilespmem:s24+$0x1000];
	_ =	sdelay $0x4  }
0x80: {  	v4 =	vmax.f32 v4, v63  }
0x81: {  	s24 =	simm.s32 $0x0;
	[tilespmem:v3+s19+$0x0] =	vst.idx.msk $0xffff, v4  }
.LBB2_6:
0x82: {  	s25 =	sshra.s32 s24, $0x2  }
0x83: {  	v3 =	vld [tilespmem:s25+$0x1400]  }
0x84: {  	v4 =	vld [tilespmem:s25+$0x3400]  }
0x85: {  	v5 =	vld [tilespmem:s25+$0x5400]  }
0x86: {  	v6 =	vld [tilespmem:s25+$0x7400]  }
0x87: {  	v7 =	vld [tilespmem:s25+$0x1600]  }
0x88: {  	v8 =	vld [tilespmem:s25+$0x3600]  }
0x89: {  	v9 =	vld [tilespmem:s25+$0x5600]  }
0x8a: {  	v10 =	vld [tilespmem:s25+$0x7600]  }
0x8b: {  	v11 =	vld [tilespmem:s25+$0x1800]  }
0x8c: {  	v12 =	vld [tilespmem:s25+$0x3800]  }
0x8d: {  	v13 =	vld [tilespmem:s25+$0x5800]  }
0x8e: {  	v14 =	vld [tilespmem:s25+$0x7800]  }
0x8f: {  	v15 =	vld [tilespmem:s25+$0x1A00]  }
0x90: {  	v16 =	vld [tilespmem:s25+$0x3A00]  }
0x91: {  	v17 =	vld [tilespmem:s25+$0x5A00]  }
0x92: {  	v18 =	vld [tilespmem:s25+$0x7A00]  }
0x93: {  	v19 =	vld [tilespmem:s25+$0x1C00]  }
0x94: {  	v20 =	vld [tilespmem:s25+$0x3C00]  }
0x95: {  	v21 =	vld [tilespmem:s25+$0x5C00]  }
0x96: {  	v22 =	vld [tilespmem:s25+$0x7C00]  }
0x97: {  	v23 =	vld [tilespmem:s25+$0x1E00]  }
0x98: {  	v24 =	vld [tilespmem:s25+$0x3E00]  }
0x99: {  	v25 =	vld [tilespmem:s25+$0x5E00]  }
0x9a: {  	v26 =	vld [tilespmem:s25+$0x7E00]  }
0x9b: {  	v27 =	vld [tilespmem:s25+$0x2000]  }
0x9c: {  	v28 =	vld [tilespmem:s25+$0x4000]  }
0x9d: {  	v29 =	vld [tilespmem:s25+$0x6000]  }
0x9e: {  	v30 =	vld [tilespmem:s25+$0x8000]  }
0x9f: {  	v31 =	vld [tilespmem:s25+$0x2200]  }
0xa0: {  	v32 =	vld [tilespmem:s25+$0x4200]  }
0xa1: {  	v33 =	vld [tilespmem:s25+$0x6200]  }
0xa2: {  	v34 =	vld [tilespmem:s25+$0x8200]  }
0xa3: {  	v35 =	vld [tilespmem:s25+$0x2400]  }
0xa4: {  	v36 =	vld [tilespmem:s25+$0x4400]  }
0xa5: {  	v37 =	vld [tilespmem:s25+$0x6400]  }
0xa6: {  	v38 =	vld [tilespmem:s25+$0x8400]  }
0xa7: {  	v39 =	vld [tilespmem:s25+$0x2600]  }
0xa8: {  	v40 =	vld [tilespmem:s25+$0x4600]  }
0xa9: {  	v41 =	vld [tilespmem:s25+$0x6600]  }
0xaa: {  	v42 =	vld [tilespmem:s25+$0x8600]  }
0xab: {  	v43 =	vld [tilespmem:s25+$0x2800]  }
0xac: {  	v44 =	vld [tilespmem:s25+$0x4800]  }
0xad: {  	v45 =	vld [tilespmem:s25+$0x6800]  }
0xae: {  	v46 =	vld [tilespmem:s25+$0x8800]  }
0xaf: {  	v47 =	vld [tilespmem:s25+$0x2A00]  }
0xb0: {  	v48 =	vld [tilespmem:s25+$0x4A00]  }
0xb1: {  	v49 =	vld [tilespmem:s25+$0x6A00]  }
0xb2: {  	v50 =	vld [tilespmem:s25+$0x8A00]  }
0xb3: {  	v62 =	vld [tilespmem:s25+$0x2C00];
	v3 =	vmin.f32 v3, v7;
	v4 =	vmin.f32 v4, v8;
	v5 =	vmax.f32 v5, v9  }
0xb4: {  	v63 =	vld [tilespmem:s25+$0x6C00];
	v6 =	vmax.f32 v6, v10;
	v3 =	vmin.f32 v3, v11;
	v4 =	vmin.f32 v4, v12  }
0xb5: {  	v51 =	vld [tilespmem:s25+$0x8C00];
	v5 =	vmax.f32 v5, v13;
	v6 =	vmax.f32 v6, v14;
	v3 =	vmin.f32 v3, v15  }
0xb6: {  	v52 =	vld [tilespmem:s25+$0x2E00];
	v4 =	vmin.f32 v4, v16;
	v5 =	vmax.f32 v5, v17;
	v6 =	vmax.f32 v6, v18  }
0xb7: {  	v53 =	vld [tilespmem:s25+$0x4E00];
	v3 =	vmin.f32 v3, v19;
	v4 =	vmin.f32 v4, v20;
	v5 =	vmax.f32 v5, v21  }
0xb8: {  	v54 =	vld [tilespmem:s25+$0x6E00];
	v6 =	vmax.f32 v6, v22;
	v3 =	vmin.f32 v3, v23;
	v4 =	vmin.f32 v4, v24  }
0xb9: {  	v55 =	vld [tilespmem:s25+$0x8E00];
	v5 =	vmax.f32 v5, v25;
	v6 =	vmax.f32 v6, v26;
	v3 =	vmin.f32 v3, v27  }
0xba: {  	v56 =	vld [tilespmem:s25+$0x3000];
	v4 =	vmin.f32 v4, v28;
	v5 =	vmax.f32 v5, v29;
	v6 =	vmax.f32 v6, v30  }
0xbb: {  	v57 =	vld [tilespmem:s25+$0x5000];
	v3 =	vmin.f32 v3, v31;
	v4 =	vmin.f32 v4, v32;
	v5 =	vmax.f32 v5, v33  }
0xbc: {  	v58 =	vld [tilespmem:s25+$0x7000];
	v6 =	vmax.f32 v6, v34;
	v3 =	vmin.f32 v3, v35;
	v4 =	vmin.f32 v4, v36  }
0xbd: {  	v8 =	vld [tilespmem:s25+$0x4C00];
	v5 =	vmax.f32 v5, v37;
	v6 =	vmax.f32 v6, v38;
	v3 =	vmin.f32 v3, v39  }
0xbe: {  	v59 =	vld [tilespmem:s25+$0x9000];
	v4 =	vmin.f32 v4, v40;
	v5 =	vmax.f32 v5, v41;
	v6 =	vmax.f32 v6, v42  }
0xbf: {  	v60 =	vld [tilespmem:s25+$0x3200];
	v3 =	vmin.f32 v3, v43;
	v4 =	vmin.f32 v4, v44;
	v5 =	vmax.f32 v5, v45  }
0xc0: {  	v61 =	vld [tilespmem:s25+$0x5200];
	v6 =	vmax.f32 v6, v46;
	v3 =	vmin.f32 v3, v47;
	v4 =	vmin.f32 v4, v48  }
0xc1: {  	v5 =	vmax.f32 v5, v49;
	v6 =	vmax.f32 v6, v50;
	v3 =	vmin.f32 v3, v62;
	v62 =	vld [tilespmem:s25+$0x7200]  }
0xc2: {  	v4 =	vmin.f32 v4, v8;
	v5 =	vmax.f32 v5, v63;
	v63 =	vld [tilespmem:s25+$0x9200];
	v3 =	vmin.f32 v3, v52  }
0xc3: {  	s31 =	sand.u32 $0x70, s23;
	s26 =	sand.u32 $0x600, s24;
	p1 =	sne.s32 s24, $0x7C0;
	v6 =	vmax.f32 v6, v51;
	v4 =	vmin.f32 v4, v53;
	v3 =	vmin.f32 v3, v56  }
.Ltmp4:
0xc4: {  	s25 =	sor.u32 s31, s26;
	v5 =	vmax.f32 v5, v54;
	v4 =	vmin.f32 v4, v57;
	v3 =	vmin.f32 v3, v60;
	(pc) =	sbr.rel @p1 .LBB2_6-.Ltmp4, $4  }
0xc5: {  	v6 =	vmax.f32 v6, v55;
	v5 =	vmax.f32 v5, v58;
	v4 =	vmin.f32 v4, v61;
	[tilespmem:s25+$0x9400] =	vst v3  }
0xc6: {  	v3 =	vmax.f32 v6, v59;
	[tilespmem:s25+$0x9480] =	vst v4;
	v5 =	vmax.f32 v5, v62  }
0xc7: {  	v3 =	vmax.f32 v3, v63;
	[tilespmem:s25+$0x9500] =	vst v5  }
0xc8: {  	s23 =	sadd.s32 $0x10, s23;
	s24 =	sadd.s32 $0x40, s24;
	[tilespmem:s25+$0x9580] =	vst v3  }
0xc9: {  	[spmem:s8] =	stream.linear.scatter [tilespmem:s20], [sflag:$0x1], $0x800, $0x38;
	[tilespmem:$0xC400] =	vst v63  }
.Ltmp5:
0xca: {  	_ =	swait.ge [sflag:s11], $0x800;
	(pc) =	sbr.rel @p0 .LBB2_11-.Ltmp5, $3  }
0xcb: {  	[sflag:s11] =	ssyncset.done $0x0  }
0xcc: {  	[sflag:s11] =	ssyncadd.s32 $0xFFFFF800  }
0xcd: {  	[bflag:$0x0] =	sbarrier.arrive $0xFFFF;
	_ =	sdelay $0x1  }
0xce: {  	[tilespmem:s21], [sflag:$0x1] =	stream.linear.gather [spmem:s8], $0x2000, $0x38;
	[tilespmem:$0xC400] =	vst v63  }
0xcf: {  	s23 =	simm.s32 $0x0;
	_ =	swait.ge [sflag:s11], $0x2000  }
0xd0: {  	s24 =	sand.u32 $0x70, s23;
	s25 =	sand.u32 $0x600, s23;
	[sflag:s11] =	ssyncset.done $0x0  }
0xd1: {  	s24 =	sor.u32 s24, s25;
	[sflag:s11] =	ssyncadd.s32 $0xFFFFE000  }
0xd2: {  	v4 =	vld [tilespmem:s24+$0xB400]  }
0xd3: {  	v3 =	vld [tilespmem:s24+$0xB480]  }
0xd4: {  	v6 =	vld [tilespmem:s24+$0xAC00]  }
0xd5: {  	v5 =	vld [tilespmem:s24+$0xAC80]  }
0xd6: {  	v7 =	vld [tilespmem:s24+$0xA400]  }
0xd7: {  	v9 =	vld [tilespmem:s24+$0x9C00]  }
0xd8: {  	v8 =	vld [tilespmem:s24+$0x9C80]  }
0xd9: {  	s26 =	simm.s32 $0x10;
	s28 =	simm.s32 $0x0;
	v10 =	vld [tilespmem:s24+$0xA480]  }
.LBB2_9:
0xda: {  	p1 =	sne.s32 s26, $0x1F0;
	v11 =	vld [tilespmem:s24+$0x9D00]  }
0xdb: {  	v12 =	vld [tilespmem:s24+$0xA500]  }
0xdc: {  	v13 =	vld [tilespmem:s24+$0xAD00]  }
0xdd: {  	v14 =	vld [tilespmem:s24+$0xB500]  }
0xde: {  	v7 =	vmin.f32 v9, v7  }
0xdf: {  	v6 =	vmin.f32 v7, v6;
	v7 =	vmin.f32 v8, v10  }
0xe0: {  	v4 =	vmin.f32 v6, v4;
	v5 =	vmin.f32 v7, v5;
	v6 =	vmax.f32 v11, v12  }
0xe1: {  	v3 =	vmin.f32 v5, v3;
	[tilespmem:s24+$0x9400] =	vst v4;
	v4 =	vmax.f32 v6, v13  }
0xe2: {  	s25 =	sor.u32 s25, s23;
	s23 =	smov.u32 s26;
	[tilespmem:s24+$0x9480] =	vst v3;
	v3 =	vmax.f32 v4, v14  }
0xe3: {  	s29 =	sor.u32 $0x180, s25;
	[tilespmem:s24+$0x9500] =	vst v3;
	v3 =	vld [tilespmem:s24+$0xA580]  }
0xe4: {  	v4 =	vld [tilespmem:s29+$0x9C00]  }
0xe5: {  	v5 =	vld [tilespmem:s24+$0xAD80]  }
0xe6: {  	v6 =	vld [tilespmem:s24+$0xB580];
	_ =	sdelay $0x2  }
0xe7: {  	v3 =	vmax.f32 v4, v3  }
0xe8: {  	s28 =	sadd.s32 $0x40, s28;
	v3 =	vmax.f32 v3, v5  }
0xe9: {  	s25 =	sand.u32 $0x600, s28;
	s24 =	sand.u32 $0x70, s26;
	v3 =	vmax.f32 v3, v6  }
0xea: {  	s24 =	sor.u32 s24, s25;
	[tilespmem:s29+$0x9400] =	vst v3  }
0xeb: {  	v4 =	vld [tilespmem:s24+$0xB400]  }
0xec: {  	v3 =	vld [tilespmem:s24+$0xB480]  }
0xed: {  	v6 =	vld [tilespmem:s24+$0xAC00]  }
.Ltmp6:
0xee: {  	v5 =	vld [tilespmem:s24+$0xAC80];
	(pc) =	sbr.rel @p1 .LBB2_9-.Ltmp6, $4  }
0xef: {  	v7 =	vld [tilespmem:s24+$0xA400]  }
0xf0: {  	v9 =	vld [tilespmem:s24+$0x9C00]  }
0xf1: {  	v8 =	vld [tilespmem:s24+$0x9C80]  }
0xf2: {  	s26 =	sadd.s32 $0x10, s26;
	v10 =	vld [tilespmem:s24+$0xA480]  }
.Ltmp7:
0xf3: {  	_ = 	snop;
	(pc) =	sbr.rel .LBB2_10-.Ltmp7, $1  }
0xf4: {  	_ =	sdelay $0x3  }
.LBB2_12:
0xf5: {  	_ =	sfence.sel $0x180000  }
0xf6: {  	[bflag:$0x0] =	sbarrier.arrive $0xFFFF  }
0xf7: {  	p0 =	sne.s32 s0, $0x0;
	_ =	strace $0x90000047  }
0xf8: {  	s0 =	sadd.s32 @!p0 $0x100000, s1;
	[bflag:$0x2] =	sbarrier.arrive $0xFFFF  }
0xf9: {  	[sflag:s0] =	ssyncadd.tile.s32 @!p0 $0x1;
	_ =	shalt  }
.Lfunc_end2:
_tile_overlayer_lowered:
.L_overlay_start_2:
0xfa: {  	(tag) =	ssettag $0x2  }
0xfb: {  	s0 =	rddreg [dreg:$0x0];
	s2 =	stileid.u32  }
0xfc: {  	s1 =	rddreg [dreg:$0x1];
	p0 =	sne.s32 s2, $0x0  }
0xfd: {  	s3 =	rddreg [dreg:$0x2];
	[bflag:$0x3] =	sbarrier.arrive $0xFFFF;
	s2 =	simm.s32 @!p0 $0x1C01  }
0xfe: {  	[timem:s3], [sflag:s2] =	dma.local @!p0 [hbm:s0], s1  }
0xff: {  	s0 =	simm.s32 @!p0 $0x1  }
0x100: {  	_ =	swait.ge @!p0 [sflag:s0], s1  }
0x101: {  	s1 =	ssub.s32 @!p0 $0x0, s1;
	[sflag:s0] =	ssyncset.done @!p0 $0x0  }
0x102: {  	[sflag:s0] =	ssyncadd.s32 @!p0 s1  }
0x103: {  	[bflag:$0x3] =	sbarrier.arrive $0xFFFF  }
0x104: {  	_ =	shalt  }

</sc_bundles>
